<compile_context>
chip_gen: v7x
topology: tpu7x:2x2x1
jax: 0.10.2.dev20260603
libtpu: 0.0.44.dev20260713+nightly
codegen_flags: <defaults>
</compile_context>

<pallas_src>
import functools

import jax
import jax.numpy as jnp
from jax import lax
from jax.experimental import pallas as pl
from jax.experimental.pallas import tpu as pltpu
from jax.experimental.pallas import tpu_sc as plsc

NC = 2
NS = 16
NW = NC * NS

CH = 64
NB = 4
LOOK = 2


def _make_lookup(B: int, DIM: int):
  assert B % (NW * CH) == 0
  bpw = B // NW
  iters = bpw // CH
  assert iters % NB == 0 and NB >= LOOK + 2
  mesh = plsc.VectorSubcoreMesh(core_axis_name="c", subcore_axis_name="s")

  @functools.partial(
      pl.kernel,
      mesh=mesh,
      out_type=jax.ShapeDtypeStruct((NW, iters, CH, DIM), jnp.float32),
      scratch_types=[
          pltpu.VMEM((iters, CH), jnp.int32),
          pltpu.VMEM((NB, CH, DIM), jnp.float32),
      ] + [pltpu.SemaphoreType.DMA] * (2 * NB),
  )
  def lookup(codes_hbm, table_hbm, out_hbm, idx_v, rows_v, *sems):
    gsems = sems[:NB]
    osems = sems[NB:]
    wid = lax.axis_index("s") * NC + lax.axis_index("c")

    pltpu.sync_copy(codes_hbm.at[wid], idx_v)

    for b in range(LOOK):
      pltpu.async_copy(table_hbm.at[idx_v.at[b]], rows_v.at[b], gsems[b])

    def group(go, carry):
      for b in range(NB):
        g = go * NB + b

        bl = (b + LOOK) % NB

        @pl.when(jnp.logical_and(g + LOOK - NB >= 0, g + LOOK < iters))
        def _():
          pltpu.make_async_copy(
              rows_v.at[bl], out_hbm.at[wid, g + LOOK - NB],
              osems[bl]).wait()

        @pl.when(g + LOOK < iters)
        def _():
          pltpu.async_copy(
              table_hbm.at[idx_v.at[g + LOOK]], rows_v.at[bl], gsems[bl])

        pltpu.make_async_copy(
            table_hbm.at[idx_v.at[g]], rows_v.at[b], gsems[b]).wait()
        pltpu.async_copy(rows_v.at[b], out_hbm.at[wid, g], osems[b])

      return carry

    lax.fori_loop(0, iters // NB, group, 0)

    for b in range(NB):
      g = iters - NB + b
      pltpu.make_async_copy(
          rows_v.at[g % NB], out_hbm.at[wid, g], osems[g % NB]).wait()

  return lookup


def kernel(codes, table):
  batch, hist = codes.shape
  B = batch * hist
  codes_r = codes.reshape(NW, B // (NW * CH), CH).astype(jnp.int32)
  out = _make_lookup(B, table.shape[1])(codes_r, table)
  return out.reshape(batch, hist, table.shape[1])

# --- scband reference (transcript-rebuilt; emitter-appended) ---
"""Pipeline reference for scband-embedding-61924838474241 (READ-ONLY COPY).

The authoritative reference and input builder live on the scoring server;
editing this copy changes nothing except your own understanding.
"""

import jax, jax.numpy as jnp
import numpy as np

VOCAB = 1000000
EMBEDDING_DIM = 256
BATCH = 4096
HIST = 200

def setup_inputs(seed: int = 0) -> dict:
    key = jax.random.key(seed)
    k1, k2 = jax.random.split(key)
    codes = jax.random.randint(k1, (BATCH, HIST), 0, VOCAB, dtype=jnp.int64) if jax.config.jax_enable_x64 else jax.random.randint(k1, (BATCH, HIST), 0, VOCAB, dtype=jnp.int32)
    # embedding table, init like nn.Embedding: N(0, 1)
    table = jax.random.normal(k2, (VOCAB, EMBEDDING_DIM), dtype=jnp.float32)
    return {"codes": codes, "table": table}

def reference(codes, table):
    # code_embeds = self.code_embed(codes)
    code_embeds = jnp.take(table, codes, axis=0)
    return code_embeds

if __name__ == "__main__":
    import jax
    _d = setup_inputs()
    print(jax.jit(kernel)(*tuple(_d.values())))

</pallas_src>

<mosaic_0001>
#map = affine_map<(d0, d1) -> (0, 0, 0)>
#map1 = affine_map<(d0, d1) -> (0, 0)>
#map2 = affine_map<(d0, d1) -> (0, 0, 0, 0)>
module attributes {stable_mosaic.version = 14 : i64} {
  func.func @lookup(%arg0: i32, %arg1: i32, %arg2: memref<32x400x64xi32, #tpu.memory_space<hbm>>, %arg3: memref<1000000x256xf32, #tpu.memory_space<hbm>>, %arg4: memref<32x400x64x256xf32, #tpu.memory_space<hbm>>, %arg5: memref<400x64xi32, #tpu.memory_space<vmem>>, %arg6: memref<4x64x256xf32, #tpu.memory_space<vmem>>, %arg7: memref<!tpu.dma_semaphore, #tpu.memory_space<semaphore_mem>>, %arg8: memref<!tpu.dma_semaphore, #tpu.memory_space<semaphore_mem>>, %arg9: memref<!tpu.dma_semaphore, #tpu.memory_space<semaphore_mem>>, %arg10: memref<!tpu.dma_semaphore, #tpu.memory_space<semaphore_mem>>, %arg11: memref<!tpu.dma_semaphore, #tpu.memory_space<semaphore_mem>>, %arg12: memref<!tpu.dma_semaphore, #tpu.memory_space<semaphore_mem>>, %arg13: memref<!tpu.dma_semaphore, #tpu.memory_space<semaphore_mem>>, %arg14: memref<!tpu.dma_semaphore, #tpu.memory_space<semaphore_mem>>) attributes {dimension_semantics = [#tpu.dimension_semantics<core_parallel>, #tpu.dimension_semantics<subcore_parallel>], iteration_bounds = array<i64: 2, 16>, scalar_prefetch = 0 : i64, scratch_operands = 10 : i64, tpu.core_type = #tpu.core_type<sc_vector_subcore>, window_params = [{transform_indices = #map}, {transform_indices = #map1}, {transform_indices = #map2}]} {
    %mul3A = arith.constant 2 : i32
    %mul3A_0 = arith.muli %arg1, %mul3A : i32
    %add3A = arith.addi %mul3A_0, %arg0 : i32
    "tpu.region"() ({
      %run_scoped3A = tpu.sem_alloc : memref<!tpu.dma_semaphore, #tpu.memory_space<semaphore_mem>>
      %dma_start3A_100 = arith.constant 0 : i32
      %dma_start3A_101 = arith.constant 0 : i32
      %dma_start3A_102 = tpu.memref_slice %arg2[%add3A, %dma_start3A_100, %dma_start3A_101] : memref<32x400x64xi32, #tpu.memory_space<hbm>> -> memref<1x400x64xi32, #tpu.memory_space<hbm>>
      %dma_start3A_103 = tpu.memref_squeeze %dma_start3A_102 : memref<1x400x64xi32, #tpu.memory_space<hbm>> -> memref<400x64xi32, #tpu.memory_space<hbm>>
      %dma_start3A_104 = arith.constant 0 : i32
      %dma_start3A_105 = arith.constant 0 : i32
      %dma_start3A_106 = tpu.memref_slice %arg2[%add3A, %dma_start3A_104, %dma_start3A_105] : memref<32x400x64xi32, #tpu.memory_space<hbm>> -> memref<1x400x64xi32, #tpu.memory_space<hbm>>
      %dma_start3A_107 = tpu.memref_squeeze %dma_start3A_106 : memref<1x400x64xi32, #tpu.memory_space<hbm>> -> memref<400x64xi32, #tpu.memory_space<hbm>>
      tpu.enqueue_dma source(%dma_start3A_107 : memref<400x64xi32, #tpu.memory_space<hbm>>) target(%arg5 : memref<400x64xi32, #tpu.memory_space<vmem>>) target_semaphore(%run_scoped3A : memref<!tpu.dma_semaphore, #tpu.memory_space<semaphore_mem>>)
      %dma_wait3A_108 = arith.constant 0 : i32
      %dma_wait3A_109 = arith.constant 0 : i32
      %dma_wait3A_110 = tpu.memref_slice %arg2[%add3A, %dma_wait3A_108, %dma_wait3A_109] : memref<32x400x64xi32, #tpu.memory_space<hbm>> -> memref<1x400x64xi32, #tpu.memory_space<hbm>>
      %dma_wait3A_111 = tpu.memref_squeeze %dma_wait3A_110 : memref<1x400x64xi32, #tpu.memory_space<hbm>> -> memref<400x64xi32, #tpu.memory_space<hbm>>
      %dma_wait3A_112 = arith.constant 0 : i32
      %dma_wait3A_113 = arith.constant 0 : i32
      %dma_wait3A_114 = tpu.memref_slice %arg2[%add3A, %dma_wait3A_112, %dma_wait3A_113] : memref<32x400x64xi32, #tpu.memory_space<hbm>> -> memref<1x400x64xi32, #tpu.memory_space<hbm>>
      %dma_wait3A_115 = tpu.memref_squeeze %dma_wait3A_114 : memref<1x400x64xi32, #tpu.memory_space<hbm>> -> memref<400x64xi32, #tpu.memory_space<hbm>>
      tpu.wait_dma2 semaphore(%run_scoped3A : memref<!tpu.dma_semaphore, #tpu.memory_space<semaphore_mem>>) src(%dma_wait3A_115 : memref<400x64xi32, #tpu.memory_space<hbm>>) dst(%arg5 : memref<400x64xi32, #tpu.memory_space<vmem>>)
      tpu.yield
    }) : () -> ()
    %dma_start3A = arith.constant 0 : i32
    %dma_start3A_1 = arith.constant 0 : i32
    %dma_start3A_2 = arith.constant 0 : i32
    %dma_start3A_3 = arith.constant 0 : i32
    %dma_start3A_4 = tpu.memref_slice %arg6[%dma_start3A_1, %dma_start3A_2, %dma_start3A_3] : memref<4x64x256xf32, #tpu.memory_space<vmem>> -> memref<1x64x256xf32, #tpu.memory_space<vmem>>
    %dma_start3A_5 = tpu.memref_squeeze %dma_start3A_4 : memref<1x64x256xf32, #tpu.memory_space<vmem>> -> memref<64x256xf32, #tpu.memory_space<vmem>>
    %dma_start3A_6 = arith.constant 0 : i32
    %dma_start3A_7 = tpu.memref_slice %arg5[%dma_start3A, %dma_start3A_6] : memref<400x64xi32, #tpu.memory_space<vmem>> -> memref<1x64xi32, #tpu.memory_space<vmem>>
    %dma_start3A_8 = tpu.memref_squeeze %dma_start3A_7 : memref<1x64xi32, #tpu.memory_space<vmem>> -> memref<64xi32, #tpu.memory_space<vmem>>
    %dma_start3A_9 = arith.constant 0 : i32
    %dma_start3A_10 = arith.constant 0 : i32
    %dma_start3A_11 = tpu.memref_slice %arg3[%dma_start3A_9, %dma_start3A_10] : memref<1000000x256xf32, #tpu.memory_space<hbm>> -> memref<1000000x256xf32, #tpu.memory_space<hbm>>
    tpu.enqueue_indirect_dma source(%dma_start3A_11 : memref<1000000x256xf32, #tpu.memory_space<hbm>>) target(%dma_start3A_5 : memref<64x256xf32, #tpu.memory_space<vmem>>) offsets(%dma_start3A_8 : memref<64xi32, #tpu.memory_space<vmem>>) semaphore(%arg7 : memref<!tpu.dma_semaphore, #tpu.memory_space<semaphore_mem>>)
    %dma_start3A_12 = arith.constant 1 : i32
    %dma_start3A_13 = arith.constant 1 : i32
    %dma_start3A_14 = arith.constant 0 : i32
    %dma_start3A_15 = arith.constant 0 : i32
    %dma_start3A_16 = tpu.memref_slice %arg6[%dma_start3A_13, %dma_start3A_14, %dma_start3A_15] : memref<4x64x256xf32, #tpu.memory_space<vmem>> -> memref<1x64x256xf32, #tpu.memory_space<vmem>>
    %dma_start3A_17 = tpu.memref_squeeze %dma_start3A_16 : memref<1x64x256xf32, #tpu.memory_space<vmem>> -> memref<64x256xf32, #tpu.memory_space<vmem>>
    %dma_start3A_18 = arith.constant 0 : i32
    %dma_start3A_19 = tpu.memref_slice %arg5[%dma_start3A_12, %dma_start3A_18] : memref<400x64xi32, #tpu.memory_space<vmem>> -> memref<1x64xi32, #tpu.memory_space<vmem>>
    %dma_start3A_20 = tpu.memref_squeeze %dma_start3A_19 : memref<1x64xi32, #tpu.memory_space<vmem>> -> memref<64xi32, #tpu.memory_space<vmem>>
    %dma_start3A_21 = arith.constant 0 : i32
    %dma_start3A_22 = arith.constant 0 : i32
    %dma_start3A_23 = tpu.memref_slice %arg3[%dma_start3A_21, %dma_start3A_22] : memref<1000000x256xf32, #tpu.memory_space<hbm>> -> memref<1000000x256xf32, #tpu.memory_space<hbm>>
    tpu.enqueue_indirect_dma source(%dma_start3A_23 : memref<1000000x256xf32, #tpu.memory_space<hbm>>) target(%dma_start3A_17 : memref<64x256xf32, #tpu.memory_space<vmem>>) offsets(%dma_start3A_20 : memref<64xi32, #tpu.memory_space<vmem>>) semaphore(%arg8 : memref<!tpu.dma_semaphore, #tpu.memory_space<semaphore_mem>>)
    %scan3A = arith.constant 0 : i32
    %scan3A_24 = arith.constant 0 : i32
    %scan3A_25 = arith.constant 100 : i32
    %scan3A_26 = arith.addi %scan3A_24, %scan3A_25 : i32
    %scan3A_27 = arith.constant 1 : i32
    scf.for %scan3A_100 = %scan3A_24 to %scan3A_26 step %scan3A_27  : i32 {
      %mul3A_101 = arith.constant 4 : i32
      %mul3A_102 = arith.muli %scan3A_100, %mul3A_101 : i32
      %add3A_103 = arith.constant 0 : i32
      %add3A_104 = arith.addi %mul3A_102, %add3A_103 : i32
      %add3A_105 = arith.constant 2 : i32
      %add3A_106 = arith.addi %add3A_104, %add3A_105 : i32
      %sub3A = arith.constant 4 : i32
      %sub3A_107 = arith.subi %add3A_106, %sub3A : i32
      %ge3A = arith.constant 0 : i32
      %ge3A_108 = arith.cmpi sge, %sub3A_107, %ge3A : i32
      %add3A_109 = arith.constant 2 : i32
      %add3A_110 = arith.addi %add3A_104, %add3A_109 : i32
      %lt3A = arith.constant 400 : i32
      %lt3A_111 = arith.cmpi slt, %add3A_110, %lt3A : i32
      %and3A = arith.andi %ge3A_108, %lt3A_111 : i1
      %convert_element_type3A = arith.extui %and3A : i1 to i32
      %cond3A = arith.constant 0 : i32
      %cond3A_112 = arith.cmpi ne, %convert_element_type3A, %cond3A : i32
      scf.if %cond3A_112 {
        %add3A_307 = arith.constant 2 : i32
        %add3A_308 = arith.addi %add3A_104, %add3A_307 : i32
        %sub3A_309 = arith.constant 4 : i32
        %sub3A_310 = arith.subi %add3A_308, %sub3A_309 : i32
        %dma_wait3A_311 = arith.constant 2 : i32
        %dma_wait3A_312 = arith.constant 0 : i32
        %dma_wait3A_313 = arith.constant 0 : i32
        %dma_wait3A_314 = tpu.memref_slice %arg6[%dma_wait3A_311, %dma_wait3A_312, %dma_wait3A_313] : memref<4x64x256xf32, #tpu.memory_space<vmem>> -> memref<1x64x256xf32, #tpu.memory_space<vmem>>
        %dma_wait3A_315 = tpu.memref_squeeze %dma_wait3A_314 : memref<1x64x256xf32, #tpu.memory_space<vmem>> -> memref<64x256xf32, #tpu.memory_space<vmem>>
        %dma_wait3A_316 = arith.constant 0 : i32
        %dma_wait3A_317 = arith.constant 0 : i32
        %dma_wait3A_318 = tpu.memref_slice %arg4[%add3A, %sub3A_310, %dma_wait3A_316, %dma_wait3A_317] : memref<32x400x64x256xf32, #tpu.memory_space<hbm>> -> memref<1x1x64x256xf32, #tpu.memory_space<hbm>>
        %dma_wait3A_319 = tpu.memref_squeeze %dma_wait3A_318 : memref<1x1x64x256xf32, #tpu.memory_space<hbm>> -> memref<64x256xf32, #tpu.memory_space<hbm>>
        %dma_wait3A_320 = arith.constant 0 : i32
        %dma_wait3A_321 = arith.constant 0 : i32
        %dma_wait3A_322 = tpu.memref_slice %arg4[%add3A, %sub3A_310, %dma_wait3A_320, %dma_wait3A_321] : memref<32x400x64x256xf32, #tpu.memory_space<hbm>> -> memref<1x1x64x256xf32, #tpu.memory_space<hbm>>
        %dma_wait3A_323 = tpu.memref_squeeze %dma_wait3A_322 : memref<1x1x64x256xf32, #tpu.memory_space<hbm>> -> memref<64x256xf32, #tpu.memory_space<hbm>>
        %dma_wait3A_324 = arith.constant 0 : i32
        %dma_wait3A_325 = arith.constant 0 : i32
        %dma_wait3A_326 = tpu.memref_slice %arg6[%dma_wait3A_311, %dma_wait3A_324, %dma_wait3A_325] : memref<4x64x256xf32, #tpu.memory_space<vmem>> -> memref<1x64x256xf32, #tpu.memory_space<vmem>>
        %dma_wait3A_327 = tpu.memref_squeeze %dma_wait3A_326 : memref<1x64x256xf32, #tpu.memory_space<vmem>> -> memref<64x256xf32, #tpu.memory_space<vmem>>
        tpu.wait_dma2 semaphore(%arg13 : memref<!tpu.dma_semaphore, #tpu.memory_space<semaphore_mem>>) src(%dma_wait3A_327 : memref<64x256xf32, #tpu.memory_space<vmem>>) dst(%dma_wait3A_323 : memref<64x256xf32, #tpu.memory_space<hbm>>)
      } else {
      }
      %add3A_113 = arith.constant 2 : i32
      %add3A_114 = arith.addi %add3A_104, %add3A_113 : i32
      %lt3A_115 = arith.constant 400 : i32
      %lt3A_116 = arith.cmpi slt, %add3A_114, %lt3A_115 : i32
      %convert_element_type3A_117 = arith.extui %lt3A_116 : i1 to i32
      %cond3A_118 = arith.constant 0 : i32
      %cond3A_119 = arith.cmpi ne, %convert_element_type3A_117, %cond3A_118 : i32
      scf.if %cond3A_119 {
        %add3A_307 = arith.constant 2 : i32
        %add3A_308 = arith.addi %add3A_104, %add3A_307 : i32
        %dma_start3A_309 = arith.constant 2 : i32
        %dma_start3A_310 = arith.constant 0 : i32
        %dma_start3A_311 = arith.constant 0 : i32
        %dma_start3A_312 = tpu.memref_slice %arg6[%dma_start3A_309, %dma_start3A_310, %dma_start3A_311] : memref<4x64x256xf32, #tpu.memory_space<vmem>> -> memref<1x64x256xf32, #tpu.memory_space<vmem>>
        %dma_start3A_313 = tpu.memref_squeeze %dma_start3A_312 : memref<1x64x256xf32, #tpu.memory_space<vmem>> -> memref<64x256xf32, #tpu.memory_space<vmem>>
        %dma_start3A_314 = arith.constant 0 : i32
        %dma_start3A_315 = tpu.memref_slice %arg5[%add3A_308, %dma_start3A_314] : memref<400x64xi32, #tpu.memory_space<vmem>> -> memref<1x64xi32, #tpu.memory_space<vmem>>
        %dma_start3A_316 = tpu.memref_squeeze %dma_start3A_315 : memref<1x64xi32, #tpu.memory_space<vmem>> -> memref<64xi32, #tpu.memory_space<vmem>>
        %dma_start3A_317 = arith.constant 0 : i32
        %dma_start3A_318 = arith.constant 0 : i32
        %dma_start3A_319 = tpu.memref_slice %arg3[%dma_start3A_317, %dma_start3A_318] : memref<1000000x256xf32, #tpu.memory_space<hbm>> -> memref<1000000x256xf32, #tpu.memory_space<hbm>>
        tpu.enqueue_indirect_dma source(%dma_start3A_319 : memref<1000000x256xf32, #tpu.memory_space<hbm>>) target(%dma_start3A_313 : memref<64x256xf32, #tpu.memory_space<vmem>>) offsets(%dma_start3A_316 : memref<64xi32, #tpu.memory_space<vmem>>) semaphore(%arg9 : memref<!tpu.dma_semaphore, #tpu.memory_space<semaphore_mem>>)
      } else {
      }
      %dma_wait3A_120 = arith.constant 0 : i32
      %dma_wait3A_121 = arith.constant 0 : i32
      %dma_wait3A_122 = arith.constant 0 : i32
      %dma_wait3A_123 = tpu.memref_slice %arg6[%dma_wait3A_120, %dma_wait3A_121, %dma_wait3A_122] : memref<4x64x256xf32, #tpu.memory_space<vmem>> -> memref<1x64x256xf32, #tpu.memory_space<vmem>>
      %dma_wait3A_124 = tpu.memref_squeeze %dma_wait3A_123 : memref<1x64x256xf32, #tpu.memory_space<vmem>> -> memref<64x256xf32, #tpu.memory_space<vmem>>
      %dma_wait3A_125 = arith.constant 0 : i32
      %dma_wait3A_126 = tpu.memref_slice %arg5[%add3A_104, %dma_wait3A_125] : memref<400x64xi32, #tpu.memory_space<vmem>> -> memref<1x64xi32, #tpu.memory_space<vmem>>
      %dma_wait3A_127 = tpu.memref_squeeze %dma_wait3A_126 : memref<1x64xi32, #tpu.memory_space<vmem>> -> memref<64xi32, #tpu.memory_space<vmem>>
      %dma_wait3A_128 = arith.constant 0 : i32
      %dma_wait3A_129 = arith.constant 0 : i32
      %dma_wait3A_130 = tpu.memref_slice %arg3[%dma_wait3A_128, %dma_wait3A_129] : memref<1000000x256xf32, #tpu.memory_space<hbm>> -> memref<1000000x256xf32, #tpu.memory_space<hbm>>
      tpu.wait_indirect_dma semaphore(%arg7 : memref<!tpu.dma_semaphore, #tpu.memory_space<semaphore_mem>>) src(%dma_wait3A_130 : memref<1000000x256xf32, #tpu.memory_space<hbm>>) dst(%dma_wait3A_124 : memref<64x256xf32, #tpu.memory_space<vmem>>)
      %dma_start3A_131 = arith.constant 0 : i32
      %dma_start3A_132 = arith.constant 0 : i32
      %dma_start3A_133 = arith.constant 0 : i32
      %dma_start3A_134 = tpu.memref_slice %arg6[%dma_start3A_131, %dma_start3A_132, %dma_start3A_133] : memref<4x64x256xf32, #tpu.memory_space<vmem>> -> memref<1x64x256xf32, #tpu.memory_space<vmem>>
      %dma_start3A_135 = tpu.memref_squeeze %dma_start3A_134 : memref<1x64x256xf32, #tpu.memory_space<vmem>> -> memref<64x256xf32, #tpu.memory_space<vmem>>
      %dma_start3A_136 = arith.constant 0 : i32
      %dma_start3A_137 = arith.constant 0 : i32
      %dma_start3A_138 = tpu.memref_slice %arg4[%add3A, %add3A_104, %dma_start3A_136, %dma_start3A_137] : memref<32x400x64x256xf32, #tpu.memory_space<hbm>> -> memref<1x1x64x256xf32, #tpu.memory_space<hbm>>
      %dma_start3A_139 = tpu.memref_squeeze %dma_start3A_138 : memref<1x1x64x256xf32, #tpu.memory_space<hbm>> -> memref<64x256xf32, #tpu.memory_space<hbm>>
      %dma_start3A_140 = arith.constant 0 : i32
      %dma_start3A_141 = arith.constant 0 : i32
      %dma_start3A_142 = tpu.memref_slice %arg4[%add3A, %add3A_104, %dma_start3A_140, %dma_start3A_141] : memref<32x400x64x256xf32, #tpu.memory_space<hbm>> -> memref<1x1x64x256xf32, #tpu.memory_space<hbm>>
      %dma_start3A_143 = tpu.memref_squeeze %dma_start3A_142 : memref<1x1x64x256xf32, #tpu.memory_space<hbm>> -> memref<64x256xf32, #tpu.memory_space<hbm>>
      %dma_start3A_144 = arith.constant 0 : i32
      %dma_start3A_145 = arith.constant 0 : i32
      %dma_start3A_146 = tpu.memref_slice %arg6[%dma_start3A_131, %dma_start3A_144, %dma_start3A_145] : memref<4x64x256xf32, #tpu.memory_space<vmem>> -> memref<1x64x256xf32, #tpu.memory_space<vmem>>
      %dma_start3A_147 = tpu.memref_squeeze %dma_start3A_146 : memref<1x64x256xf32, #tpu.memory_space<vmem>> -> memref<64x256xf32, #tpu.memory_space<vmem>>
      tpu.enqueue_dma source(%dma_start3A_147 : memref<64x256xf32, #tpu.memory_space<vmem>>) target(%dma_start3A_143 : memref<64x256xf32, #tpu.memory_space<hbm>>) target_semaphore(%arg11 : memref<!tpu.dma_semaphore, #tpu.memory_space<semaphore_mem>>)
      %mul3A_148 = arith.constant 4 : i32
      %mul3A_149 = arith.muli %scan3A_100, %mul3A_148 : i32
      %add3A_150 = arith.constant 1 : i32
      %add3A_151 = arith.addi %mul3A_149, %add3A_150 : i32
      %add3A_152 = arith.constant 2 : i32
      %add3A_153 = arith.addi %add3A_151, %add3A_152 : i32
      %sub3A_154 = arith.constant 4 : i32
      %sub3A_155 = arith.subi %add3A_153, %sub3A_154 : i32
      %ge3A_156 = arith.constant 0 : i32
      %ge3A_157 = arith.cmpi sge, %sub3A_155, %ge3A_156 : i32
      %add3A_158 = arith.constant 2 : i32
      %add3A_159 = arith.addi %add3A_151, %add3A_158 : i32
      %lt3A_160 = arith.constant 400 : i32
      %lt3A_161 = arith.cmpi slt, %add3A_159, %lt3A_160 : i32
      %and3A_162 = arith.andi %ge3A_157, %lt3A_161 : i1
      %convert_element_type3A_163 = arith.extui %and3A_162 : i1 to i32
      %cond3A_164 = arith.constant 0 : i32
      %cond3A_165 = arith.cmpi ne, %convert_element_type3A_163, %cond3A_164 : i32
      scf.if %cond3A_165 {
        %add3A_307 = arith.constant 2 : i32
        %add3A_308 = arith.addi %add3A_151, %add3A_307 : i32
        %sub3A_309 = arith.constant 4 : i32
        %sub3A_310 = arith.subi %add3A_308, %sub3A_309 : i32
        %dma_wait3A_311 = arith.constant 3 : i32
        %dma_wait3A_312 = arith.constant 0 : i32
        %dma_wait3A_313 = arith.constant 0 : i32
        %dma_wait3A_314 = tpu.memref_slice %arg6[%dma_wait3A_311, %dma_wait3A_312, %dma_wait3A_313] : memref<4x64x256xf32, #tpu.memory_space<vmem>> -> memref<1x64x256xf32, #tpu.memory_space<vmem>>
        %dma_wait3A_315 = tpu.memref_squeeze %dma_wait3A_314 : memref<1x64x256xf32, #tpu.memory_space<vmem>> -> memref<64x256xf32, #tpu.memory_space<vmem>>
        %dma_wait3A_316 = arith.constant 0 : i32
        %dma_wait3A_317 = arith.constant 0 : i32
        %dma_wait3A_318 = tpu.memref_slice %arg4[%add3A, %sub3A_310, %dma_wait3A_316, %dma_wait3A_317] : memref<32x400x64x256xf32, #tpu.memory_space<hbm>> -> memref<1x1x64x256xf32, #tpu.memory_space<hbm>>
        %dma_wait3A_319 = tpu.memref_squeeze %dma_wait3A_318 : memref<1x1x64x256xf32, #tpu.memory_space<hbm>> -> memref<64x256xf32, #tpu.memory_space<hbm>>
        %dma_wait3A_320 = arith.constant 0 : i32
        %dma_wait3A_321 = arith.constant 0 : i32
        %dma_wait3A_322 = tpu.memref_slice %arg4[%add3A, %sub3A_310, %dma_wait3A_320, %dma_wait3A_321] : memref<32x400x64x256xf32, #tpu.memory_space<hbm>> -> memref<1x1x64x256xf32, #tpu.memory_space<hbm>>
        %dma_wait3A_323 = tpu.memref_squeeze %dma_wait3A_322 : memref<1x1x64x256xf32, #tpu.memory_space<hbm>> -> memref<64x256xf32, #tpu.memory_space<hbm>>
        %dma_wait3A_324 = arith.constant 0 : i32
        %dma_wait3A_325 = arith.constant 0 : i32
        %dma_wait3A_326 = tpu.memref_slice %arg6[%dma_wait3A_311, %dma_wait3A_324, %dma_wait3A_325] : memref<4x64x256xf32, #tpu.memory_space<vmem>> -> memref<1x64x256xf32, #tpu.memory_space<vmem>>
        %dma_wait3A_327 = tpu.memref_squeeze %dma_wait3A_326 : memref<1x64x256xf32, #tpu.memory_space<vmem>> -> memref<64x256xf32, #tpu.memory_space<vmem>>
        tpu.wait_dma2 semaphore(%arg14 : memref<!tpu.dma_semaphore, #tpu.memory_space<semaphore_mem>>) src(%dma_wait3A_327 : memref<64x256xf32, #tpu.memory_space<vmem>>) dst(%dma_wait3A_323 : memref<64x256xf32, #tpu.memory_space<hbm>>)
      } else {
      }
      %add3A_166 = arith.constant 2 : i32
      %add3A_167 = arith.addi %add3A_151, %add3A_166 : i32
      %lt3A_168 = arith.constant 400 : i32
      %lt3A_169 = arith.cmpi slt, %add3A_167, %lt3A_168 : i32
      %convert_element_type3A_170 = arith.extui %lt3A_169 : i1 to i32
      %cond3A_171 = arith.constant 0 : i32
      %cond3A_172 = arith.cmpi ne, %convert_element_type3A_170, %cond3A_171 : i32
      scf.if %cond3A_172 {
        %add3A_307 = arith.constant 2 : i32
        %add3A_308 = arith.addi %add3A_151, %add3A_307 : i32
        %dma_start3A_309 = arith.constant 3 : i32
        %dma_start3A_310 = arith.constant 0 : i32
        %dma_start3A_311 = arith.constant 0 : i32
        %dma_start3A_312 = tpu.memref_slice %arg6[%dma_start3A_309, %dma_start3A_310, %dma_start3A_311] : memref<4x64x256xf32, #tpu.memory_space<vmem>> -> memref<1x64x256xf32, #tpu.memory_space<vmem>>
        %dma_start3A_313 = tpu.memref_squeeze %dma_start3A_312 : memref<1x64x256xf32, #tpu.memory_space<vmem>> -> memref<64x256xf32, #tpu.memory_space<vmem>>
        %dma_start3A_314 = arith.constant 0 : i32
        %dma_start3A_315 = tpu.memref_slice %arg5[%add3A_308, %dma_start3A_314] : memref<400x64xi32, #tpu.memory_space<vmem>> -> memref<1x64xi32, #tpu.memory_space<vmem>>
        %dma_start3A_316 = tpu.memref_squeeze %dma_start3A_315 : memref<1x64xi32, #tpu.memory_space<vmem>> -> memref<64xi32, #tpu.memory_space<vmem>>
        %dma_start3A_317 = arith.constant 0 : i32
        %dma_start3A_318 = arith.constant 0 : i32
        %dma_start3A_319 = tpu.memref_slice %arg3[%dma_start3A_317, %dma_start3A_318] : memref<1000000x256xf32, #tpu.memory_space<hbm>> -> memref<1000000x256xf32, #tpu.memory_space<hbm>>
        tpu.enqueue_indirect_dma source(%dma_start3A_319 : memref<1000000x256xf32, #tpu.memory_space<hbm>>) target(%dma_start3A_313 : memref<64x256xf32, #tpu.memory_space<vmem>>) offsets(%dma_start3A_316 : memref<64xi32, #tpu.memory_space<vmem>>) semaphore(%arg10 : memref<!tpu.dma_semaphore, #tpu.memory_space<semaphore_mem>>)
      } else {
      }
      %dma_wait3A_173 = arith.constant 1 : i32
      %dma_wait3A_174 = arith.constant 0 : i32
      %dma_wait3A_175 = arith.constant 0 : i32
      %dma_wait3A_176 = tpu.memref_slice %arg6[%dma_wait3A_173, %dma_wait3A_174, %dma_wait3A_175] : memref<4x64x256xf32, #tpu.memory_space<vmem>> -> memref<1x64x256xf32, #tpu.memory_space<vmem>>
      %dma_wait3A_177 = tpu.memref_squeeze %dma_wait3A_176 : memref<1x64x256xf32, #tpu.memory_space<vmem>> -> memref<64x256xf32, #tpu.memory_space<vmem>>
      %dma_wait3A_178 = arith.constant 0 : i32
      %dma_wait3A_179 = tpu.memref_slice %arg5[%add3A_151, %dma_wait3A_178] : memref<400x64xi32, #tpu.memory_space<vmem>> -> memref<1x64xi32, #tpu.memory_space<vmem>>
      %dma_wait3A_180 = tpu.memref_squeeze %dma_wait3A_179 : memref<1x64xi32, #tpu.memory_space<vmem>> -> memref<64xi32, #tpu.memory_space<vmem>>
      %dma_wait3A_181 = arith.constant 0 : i32
      %dma_wait3A_182 = arith.constant 0 : i32
      %dma_wait3A_183 = tpu.memref_slice %arg3[%dma_wait3A_181, %dma_wait3A_182] : memref<1000000x256xf32, #tpu.memory_space<hbm>> -> memref<1000000x256xf32, #tpu.memory_space<hbm>>
      tpu.wait_indirect_dma semaphore(%arg8 : memref<!tpu.dma_semaphore, #tpu.memory_space<semaphore_mem>>) src(%dma_wait3A_183 : memref<1000000x256xf32, #tpu.memory_space<hbm>>) dst(%dma_wait3A_177 : memref<64x256xf32, #tpu.memory_space<vmem>>)
      %dma_start3A_184 = arith.constant 1 : i32
      %dma_start3A_185 = arith.constant 0 : i32
      %dma_start3A_186 = arith.constant 0 : i32
      %dma_start3A_187 = tpu.memref_slice %arg6[%dma_start3A_184, %dma_start3A_185, %dma_start3A_186] : memref<4x64x256xf32, #tpu.memory_space<vmem>> -> memref<1x64x256xf32, #tpu.memory_space<vmem>>
      %dma_start3A_188 = tpu.memref_squeeze %dma_start3A_187 : memref<1x64x256xf32, #tpu.memory_space<vmem>> -> memref<64x256xf32, #tpu.memory_space<vmem>>
      %dma_start3A_189 = arith.constant 0 : i32
      %dma_start3A_190 = arith.constant 0 : i32
      %dma_start3A_191 = tpu.memref_slice %arg4[%add3A, %add3A_151, %dma_start3A_189, %dma_start3A_190] : memref<32x400x64x256xf32, #tpu.memory_space<hbm>> -> memref<1x1x64x256xf32, #tpu.memory_space<hbm>>
      %dma_start3A_192 = tpu.memref_squeeze %dma_start3A_191 : memref<1x1x64x256xf32, #tpu.memory_space<hbm>> -> memref<64x256xf32, #tpu.memory_space<hbm>>
      %dma_start3A_193 = arith.constant 0 : i32
      %dma_start3A_194 = arith.constant 0 : i32
      %dma_start3A_195 = tpu.memref_slice %arg4[%add3A, %add3A_151, %dma_start3A_193, %dma_start3A_194] : memref<32x400x64x256xf32, #tpu.memory_space<hbm>> -> memref<1x1x64x256xf32, #tpu.memory_space<hbm>>
      %dma_start3A_196 = tpu.memref_squeeze %dma_start3A_195 : memref<1x1x64x256xf32, #tpu.memory_space<hbm>> -> memref<64x256xf32, #tpu.memory_space<hbm>>
      %dma_start3A_197 = arith.constant 0 : i32
      %dma_start3A_198 = arith.constant 0 : i32
      %dma_start3A_199 = tpu.memref_slice %arg6[%dma_start3A_184, %dma_start3A_197, %dma_start3A_198] : memref<4x64x256xf32, #tpu.memory_space<vmem>> -> memref<1x64x256xf32, #tpu.memory_space<vmem>>
      %dma_start3A_200 = tpu.memref_squeeze %dma_start3A_199 : memref<1x64x256xf32, #tpu.memory_space<vmem>> -> memref<64x256xf32, #tpu.memory_space<vmem>>
      tpu.enqueue_dma source(%dma_start3A_200 : memref<64x256xf32, #tpu.memory_space<vmem>>) target(%dma_start3A_196 : memref<64x256xf32, #tpu.memory_space<hbm>>) target_semaphore(%arg12 : memref<!tpu.dma_semaphore, #tpu.memory_space<semaphore_mem>>)
      %mul3A_201 = arith.constant 4 : i32
      %mul3A_202 = arith.muli %scan3A_100, %mul3A_201 : i32
      %add3A_203 = arith.constant 2 : i32
      %add3A_204 = arith.addi %mul3A_202, %add3A_203 : i32
      %add3A_205 = arith.constant 2 : i32
      %add3A_206 = arith.addi %add3A_204, %add3A_205 : i32
      %sub3A_207 = arith.constant 4 : i32
      %sub3A_208 = arith.subi %add3A_206, %sub3A_207 : i32
      %ge3A_209 = arith.constant 0 : i32
      %ge3A_210 = arith.cmpi sge, %sub3A_208, %ge3A_209 : i32
      %add3A_211 = arith.constant 2 : i32
      %add3A_212 = arith.addi %add3A_204, %add3A_211 : i32
      %lt3A_213 = arith.constant 400 : i32
      %lt3A_214 = arith.cmpi slt, %add3A_212, %lt3A_213 : i32
      %and3A_215 = arith.andi %ge3A_210, %lt3A_214 : i1
      %convert_element_type3A_216 = arith.extui %and3A_215 : i1 to i32
      %cond3A_217 = arith.constant 0 : i32
      %cond3A_218 = arith.cmpi ne, %convert_element_type3A_216, %cond3A_217 : i32
      scf.if %cond3A_218 {
        %add3A_307 = arith.constant 2 : i32
        %add3A_308 = arith.addi %add3A_204, %add3A_307 : i32
        %sub3A_309 = arith.constant 4 : i32
        %sub3A_310 = arith.subi %add3A_308, %sub3A_309 : i32
        %dma_wait3A_311 = arith.constant 0 : i32
        %dma_wait3A_312 = arith.constant 0 : i32
        %dma_wait3A_313 = arith.constant 0 : i32
        %dma_wait3A_314 = tpu.memref_slice %arg6[%dma_wait3A_311, %dma_wait3A_312, %dma_wait3A_313] : memref<4x64x256xf32, #tpu.memory_space<vmem>> -> memref<1x64x256xf32, #tpu.memory_space<vmem>>
        %dma_wait3A_315 = tpu.memref_squeeze %dma_wait3A_314 : memref<1x64x256xf32, #tpu.memory_space<vmem>> -> memref<64x256xf32, #tpu.memory_space<vmem>>
        %dma_wait3A_316 = arith.constant 0 : i32
        %dma_wait3A_317 = arith.constant 0 : i32
        %dma_wait3A_318 = tpu.memref_slice %arg4[%add3A, %sub3A_310, %dma_wait3A_316, %dma_wait3A_317] : memref<32x400x64x256xf32, #tpu.memory_space<hbm>> -> memref<1x1x64x256xf32, #tpu.memory_space<hbm>>
        %dma_wait3A_319 = tpu.memref_squeeze %dma_wait3A_318 : memref<1x1x64x256xf32, #tpu.memory_space<hbm>> -> memref<64x256xf32, #tpu.memory_space<hbm>>
        %dma_wait3A_320 = arith.constant 0 : i32
        %dma_wait3A_321 = arith.constant 0 : i32
        %dma_wait3A_322 = tpu.memref_slice %arg4[%add3A, %sub3A_310, %dma_wait3A_320, %dma_wait3A_321] : memref<32x400x64x256xf32, #tpu.memory_space<hbm>> -> memref<1x1x64x256xf32, #tpu.memory_space<hbm>>
        %dma_wait3A_323 = tpu.memref_squeeze %dma_wait3A_322 : memref<1x1x64x256xf32, #tpu.memory_space<hbm>> -> memref<64x256xf32, #tpu.memory_space<hbm>>
        %dma_wait3A_324 = arith.constant 0 : i32
        %dma_wait3A_325 = arith.constant 0 : i32
        %dma_wait3A_326 = tpu.memref_slice %arg6[%dma_wait3A_311, %dma_wait3A_324, %dma_wait3A_325] : memref<4x64x256xf32, #tpu.memory_space<vmem>> -> memref<1x64x256xf32, #tpu.memory_space<vmem>>
        %dma_wait3A_327 = tpu.memref_squeeze %dma_wait3A_326 : memref<1x64x256xf32, #tpu.memory_space<vmem>> -> memref<64x256xf32, #tpu.memory_space<vmem>>
        tpu.wait_dma2 semaphore(%arg11 : memref<!tpu.dma_semaphore, #tpu.memory_space<semaphore_mem>>) src(%dma_wait3A_327 : memref<64x256xf32, #tpu.memory_space<vmem>>) dst(%dma_wait3A_323 : memref<64x256xf32, #tpu.memory_space<hbm>>)
      } else {
      }
      %add3A_219 = arith.constant 2 : i32
      %add3A_220 = arith.addi %add3A_204, %add3A_219 : i32
      %lt3A_221 = arith.constant 400 : i32
      %lt3A_222 = arith.cmpi slt, %add3A_220, %lt3A_221 : i32
      %convert_element_type3A_223 = arith.extui %lt3A_222 : i1 to i32
      %cond3A_224 = arith.constant 0 : i32
      %cond3A_225 = arith.cmpi ne, %convert_element_type3A_223, %cond3A_224 : i32
      scf.if %cond3A_225 {
        %add3A_307 = arith.constant 2 : i32
        %add3A_308 = arith.addi %add3A_204, %add3A_307 : i32
        %dma_start3A_309 = arith.constant 0 : i32
        %dma_start3A_310 = arith.constant 0 : i32
        %dma_start3A_311 = arith.constant 0 : i32
        %dma_start3A_312 = tpu.memref_slice %arg6[%dma_start3A_309, %dma_start3A_310, %dma_start3A_311] : memref<4x64x256xf32, #tpu.memory_space<vmem>> -> memref<1x64x256xf32, #tpu.memory_space<vmem>>
        %dma_start3A_313 = tpu.memref_squeeze %dma_start3A_312 : memref<1x64x256xf32, #tpu.memory_space<vmem>> -> memref<64x256xf32, #tpu.memory_space<vmem>>
        %dma_start3A_314 = arith.constant 0 : i32
        %dma_start3A_315 = tpu.memref_slice %arg5[%add3A_308, %dma_start3A_314] : memref<400x64xi32, #tpu.memory_space<vmem>> -> memref<1x64xi32, #tpu.memory_space<vmem>>
        %dma_start3A_316 = tpu.memref_squeeze %dma_start3A_315 : memref<1x64xi32, #tpu.memory_space<vmem>> -> memref<64xi32, #tpu.memory_space<vmem>>
        %dma_start3A_317 = arith.constant 0 : i32
        %dma_start3A_318 = arith.constant 0 : i32
        %dma_start3A_319 = tpu.memref_slice %arg3[%dma_start3A_317, %dma_start3A_318] : memref<1000000x256xf32, #tpu.memory_space<hbm>> -> memref<1000000x256xf32, #tpu.memory_space<hbm>>
        tpu.enqueue_indirect_dma source(%dma_start3A_319 : memref<1000000x256xf32, #tpu.memory_space<hbm>>) target(%dma_start3A_313 : memref<64x256xf32, #tpu.memory_space<vmem>>) offsets(%dma_start3A_316 : memref<64xi32, #tpu.memory_space<vmem>>) semaphore(%arg7 : memref<!tpu.dma_semaphore, #tpu.memory_space<semaphore_mem>>)
      } else {
      }
      %dma_wait3A_226 = arith.constant 2 : i32
      %dma_wait3A_227 = arith.constant 0 : i32
      %dma_wait3A_228 = arith.constant 0 : i32
      %dma_wait3A_229 = tpu.memref_slice %arg6[%dma_wait3A_226, %dma_wait3A_227, %dma_wait3A_228] : memref<4x64x256xf32, #tpu.memory_space<vmem>> -> memref<1x64x256xf32, #tpu.memory_space<vmem>>
      %dma_wait3A_230 = tpu.memref_squeeze %dma_wait3A_229 : memref<1x64x256xf32, #tpu.memory_space<vmem>> -> memref<64x256xf32, #tpu.memory_space<vmem>>
      %dma_wait3A_231 = arith.constant 0 : i32
      %dma_wait3A_232 = tpu.memref_slice %arg5[%add3A_204, %dma_wait3A_231] : memref<400x64xi32, #tpu.memory_space<vmem>> -> memref<1x64xi32, #tpu.memory_space<vmem>>
      %dma_wait3A_233 = tpu.memref_squeeze %dma_wait3A_232 : memref<1x64xi32, #tpu.memory_space<vmem>> -> memref<64xi32, #tpu.memory_space<vmem>>
      %dma_wait3A_234 = arith.constant 0 : i32
      %dma_wait3A_235 = arith.constant 0 : i32
      %dma_wait3A_236 = tpu.memref_slice %arg3[%dma_wait3A_234, %dma_wait3A_235] : memref<1000000x256xf32, #tpu.memory_space<hbm>> -> memref<1000000x256xf32, #tpu.memory_space<hbm>>
      tpu.wait_indirect_dma semaphore(%arg9 : memref<!tpu.dma_semaphore, #tpu.memory_space<semaphore_mem>>) src(%dma_wait3A_236 : memref<1000000x256xf32, #tpu.memory_space<hbm>>) dst(%dma_wait3A_230 : memref<64x256xf32, #tpu.memory_space<vmem>>)
      %dma_start3A_237 = arith.constant 2 : i32
      %dma_start3A_238 = arith.constant 0 : i32
      %dma_start3A_239 = arith.constant 0 : i32
      %dma_start3A_240 = tpu.memref_slice %arg6[%dma_start3A_237, %dma_start3A_238, %dma_start3A_239] : memref<4x64x256xf32, #tpu.memory_space<vmem>> -> memref<1x64x256xf32, #tpu.memory_space<vmem>>
      %dma_start3A_241 = tpu.memref_squeeze %dma_start3A_240 : memref<1x64x256xf32, #tpu.memory_space<vmem>> -> memref<64x256xf32, #tpu.memory_space<vmem>>
      %dma_start3A_242 = arith.constant 0 : i32
      %dma_start3A_243 = arith.constant 0 : i32
      %dma_start3A_244 = tpu.memref_slice %arg4[%add3A, %add3A_204, %dma_start3A_242, %dma_start3A_243] : memref<32x400x64x256xf32, #tpu.memory_space<hbm>> -> memref<1x1x64x256xf32, #tpu.memory_space<hbm>>
      %dma_start3A_245 = tpu.memref_squeeze %dma_start3A_244 : memref<1x1x64x256xf32, #tpu.memory_space<hbm>> -> memref<64x256xf32, #tpu.memory_space<hbm>>
      %dma_start3A_246 = arith.constant 0 : i32
      %dma_start3A_247 = arith.constant 0 : i32
      %dma_start3A_248 = tpu.memref_slice %arg4[%add3A, %add3A_204, %dma_start3A_246, %dma_start3A_247] : memref<32x400x64x256xf32, #tpu.memory_space<hbm>> -> memref<1x1x64x256xf32, #tpu.memory_space<hbm>>
      %dma_start3A_249 = tpu.memref_squeeze %dma_start3A_248 : memref<1x1x64x256xf32, #tpu.memory_space<hbm>> -> memref<64x256xf32, #tpu.memory_space<hbm>>
      %dma_start3A_250 = arith.constant 0 : i32
      %dma_start3A_251 = arith.constant 0 : i32
      %dma_start3A_252 = tpu.memref_slice %arg6[%dma_start3A_237, %dma_start3A_250, %dma_start3A_251] : memref<4x64x256xf32, #tpu.memory_space<vmem>> -> memref<1x64x256xf32, #tpu.memory_space<vmem>>
      %dma_start3A_253 = tpu.memref_squeeze %dma_start3A_252 : memref<1x64x256xf32, #tpu.memory_space<vmem>> -> memref<64x256xf32, #tpu.memory_space<vmem>>
      tpu.enqueue_dma source(%dma_start3A_253 : memref<64x256xf32, #tpu.memory_space<vmem>>) target(%dma_start3A_249 : memref<64x256xf32, #tpu.memory_space<hbm>>) target_semaphore(%arg13 : memref<!tpu.dma_semaphore, #tpu.memory_space<semaphore_mem>>)
      %mul3A_254 = arith.constant 4 : i32
      %mul3A_255 = arith.muli %scan3A_100, %mul3A_254 : i32
      %add3A_256 = arith.constant 3 : i32
      %add3A_257 = arith.addi %mul3A_255, %add3A_256 : i32
      %add3A_258 = arith.constant 2 : i32
      %add3A_259 = arith.addi %add3A_257, %add3A_258 : i32
      %sub3A_260 = arith.constant 4 : i32
      %sub3A_261 = arith.subi %add3A_259, %sub3A_260 : i32
      %ge3A_262 = arith.constant 0 : i32
      %ge3A_263 = arith.cmpi sge, %sub3A_261, %ge3A_262 : i32
      %add3A_264 = arith.constant 2 : i32
      %add3A_265 = arith.addi %add3A_257, %add3A_264 : i32
      %lt3A_266 = arith.constant 400 : i32
      %lt3A_267 = arith.cmpi slt, %add3A_265, %lt3A_266 : i32
      %and3A_268 = arith.andi %ge3A_263, %lt3A_267 : i1
      %convert_element_type3A_269 = arith.extui %and3A_268 : i1 to i32
      %cond3A_270 = arith.constant 0 : i32
      %cond3A_271 = arith.cmpi ne, %convert_element_type3A_269, %cond3A_270 : i32
      scf.if %cond3A_271 {
        %add3A_307 = arith.constant 2 : i32
        %add3A_308 = arith.addi %add3A_257, %add3A_307 : i32
        %sub3A_309 = arith.constant 4 : i32
        %sub3A_310 = arith.subi %add3A_308, %sub3A_309 : i32
        %dma_wait3A_311 = arith.constant 1 : i32
        %dma_wait3A_312 = arith.constant 0 : i32
        %dma_wait3A_313 = arith.constant 0 : i32
        %dma_wait3A_314 = tpu.memref_slice %arg6[%dma_wait3A_311, %dma_wait3A_312, %dma_wait3A_313] : memref<4x64x256xf32, #tpu.memory_space<vmem>> -> memref<1x64x256xf32, #tpu.memory_space<vmem>>
        %dma_wait3A_315 = tpu.memref_squeeze %dma_wait3A_314 : memref<1x64x256xf32, #tpu.memory_space<vmem>> -> memref<64x256xf32, #tpu.memory_space<vmem>>
        %dma_wait3A_316 = arith.constant 0 : i32
        %dma_wait3A_317 = arith.constant 0 : i32
        %dma_wait3A_318 = tpu.memref_slice %arg4[%add3A, %sub3A_310, %dma_wait3A_316, %dma_wait3A_317] : memref<32x400x64x256xf32, #tpu.memory_space<hbm>> -> memref<1x1x64x256xf32, #tpu.memory_space<hbm>>
        %dma_wait3A_319 = tpu.memref_squeeze %dma_wait3A_318 : memref<1x1x64x256xf32, #tpu.memory_space<hbm>> -> memref<64x256xf32, #tpu.memory_space<hbm>>
        %dma_wait3A_320 = arith.constant 0 : i32
        %dma_wait3A_321 = arith.constant 0 : i32
        %dma_wait3A_322 = tpu.memref_slice %arg4[%add3A, %sub3A_310, %dma_wait3A_320, %dma_wait3A_321] : memref<32x400x64x256xf32, #tpu.memory_space<hbm>> -> memref<1x1x64x256xf32, #tpu.memory_space<hbm>>
        %dma_wait3A_323 = tpu.memref_squeeze %dma_wait3A_322 : memref<1x1x64x256xf32, #tpu.memory_space<hbm>> -> memref<64x256xf32, #tpu.memory_space<hbm>>
        %dma_wait3A_324 = arith.constant 0 : i32
        %dma_wait3A_325 = arith.constant 0 : i32
        %dma_wait3A_326 = tpu.memref_slice %arg6[%dma_wait3A_311, %dma_wait3A_324, %dma_wait3A_325] : memref<4x64x256xf32, #tpu.memory_space<vmem>> -> memref<1x64x256xf32, #tpu.memory_space<vmem>>
        %dma_wait3A_327 = tpu.memref_squeeze %dma_wait3A_326 : memref<1x64x256xf32, #tpu.memory_space<vmem>> -> memref<64x256xf32, #tpu.memory_space<vmem>>
        tpu.wait_dma2 semaphore(%arg12 : memref<!tpu.dma_semaphore, #tpu.memory_space<semaphore_mem>>) src(%dma_wait3A_327 : memref<64x256xf32, #tpu.memory_space<vmem>>) dst(%dma_wait3A_323 : memref<64x256xf32, #tpu.memory_space<hbm>>)
      } else {
      }
      %add3A_272 = arith.constant 2 : i32
      %add3A_273 = arith.addi %add3A_257, %add3A_272 : i32
      %lt3A_274 = arith.constant 400 : i32
      %lt3A_275 = arith.cmpi slt, %add3A_273, %lt3A_274 : i32
      %convert_element_type3A_276 = arith.extui %lt3A_275 : i1 to i32
      %cond3A_277 = arith.constant 0 : i32
      %cond3A_278 = arith.cmpi ne, %convert_element_type3A_276, %cond3A_277 : i32
      scf.if %cond3A_278 {
        %add3A_307 = arith.constant 2 : i32
        %add3A_308 = arith.addi %add3A_257, %add3A_307 : i32
        %dma_start3A_309 = arith.constant 1 : i32
        %dma_start3A_310 = arith.constant 0 : i32
        %dma_start3A_311 = arith.constant 0 : i32
        %dma_start3A_312 = tpu.memref_slice %arg6[%dma_start3A_309, %dma_start3A_310, %dma_start3A_311] : memref<4x64x256xf32, #tpu.memory_space<vmem>> -> memref<1x64x256xf32, #tpu.memory_space<vmem>>
        %dma_start3A_313 = tpu.memref_squeeze %dma_start3A_312 : memref<1x64x256xf32, #tpu.memory_space<vmem>> -> memref<64x256xf32, #tpu.memory_space<vmem>>
        %dma_start3A_314 = arith.constant 0 : i32
        %dma_start3A_315 = tpu.memref_slice %arg5[%add3A_308, %dma_start3A_314] : memref<400x64xi32, #tpu.memory_space<vmem>> -> memref<1x64xi32, #tpu.memory_space<vmem>>
        %dma_start3A_316 = tpu.memref_squeeze %dma_start3A_315 : memref<1x64xi32, #tpu.memory_space<vmem>> -> memref<64xi32, #tpu.memory_space<vmem>>
        %dma_start3A_317 = arith.constant 0 : i32
        %dma_start3A_318 = arith.constant 0 : i32
        %dma_start3A_319 = tpu.memref_slice %arg3[%dma_start3A_317, %dma_start3A_318] : memref<1000000x256xf32, #tpu.memory_space<hbm>> -> memref<1000000x256xf32, #tpu.memory_space<hbm>>
        tpu.enqueue_indirect_dma source(%dma_start3A_319 : memref<1000000x256xf32, #tpu.memory_space<hbm>>) target(%dma_start3A_313 : memref<64x256xf32, #tpu.memory_space<vmem>>) offsets(%dma_start3A_316 : memref<64xi32, #tpu.memory_space<vmem>>) semaphore(%arg8 : memref<!tpu.dma_semaphore, #tpu.memory_space<semaphore_mem>>)
      } else {
      }
      %dma_wait3A_279 = arith.constant 3 : i32
      %dma_wait3A_280 = arith.constant 0 : i32
      %dma_wait3A_281 = arith.constant 0 : i32
      %dma_wait3A_282 = tpu.memref_slice %arg6[%dma_wait3A_279, %dma_wait3A_280, %dma_wait3A_281] : memref<4x64x256xf32, #tpu.memory_space<vmem>> -> memref<1x64x256xf32, #tpu.memory_space<vmem>>
      %dma_wait3A_283 = tpu.memref_squeeze %dma_wait3A_282 : memref<1x64x256xf32, #tpu.memory_space<vmem>> -> memref<64x256xf32, #tpu.memory_space<vmem>>
      %dma_wait3A_284 = arith.constant 0 : i32
      %dma_wait3A_285 = tpu.memref_slice %arg5[%add3A_257, %dma_wait3A_284] : memref<400x64xi32, #tpu.memory_space<vmem>> -> memref<1x64xi32, #tpu.memory_space<vmem>>
      %dma_wait3A_286 = tpu.memref_squeeze %dma_wait3A_285 : memref<1x64xi32, #tpu.memory_space<vmem>> -> memref<64xi32, #tpu.memory_space<vmem>>
      %dma_wait3A_287 = arith.constant 0 : i32
      %dma_wait3A_288 = arith.constant 0 : i32
      %dma_wait3A_289 = tpu.memref_slice %arg3[%dma_wait3A_287, %dma_wait3A_288] : memref<1000000x256xf32, #tpu.memory_space<hbm>> -> memref<1000000x256xf32, #tpu.memory_space<hbm>>
      tpu.wait_indirect_dma semaphore(%arg10 : memref<!tpu.dma_semaphore, #tpu.memory_space<semaphore_mem>>) src(%dma_wait3A_289 : memref<1000000x256xf32, #tpu.memory_space<hbm>>) dst(%dma_wait3A_283 : memref<64x256xf32, #tpu.memory_space<vmem>>)
      %dma_start3A_290 = arith.constant 3 : i32
      %dma_start3A_291 = arith.constant 0 : i32
      %dma_start3A_292 = arith.constant 0 : i32
      %dma_start3A_293 = tpu.memref_slice %arg6[%dma_start3A_290, %dma_start3A_291, %dma_start3A_292] : memref<4x64x256xf32, #tpu.memory_space<vmem>> -> memref<1x64x256xf32, #tpu.memory_space<vmem>>
      %dma_start3A_294 = tpu.memref_squeeze %dma_start3A_293 : memref<1x64x256xf32, #tpu.memory_space<vmem>> -> memref<64x256xf32, #tpu.memory_space<vmem>>
      %dma_start3A_295 = arith.constant 0 : i32
      %dma_start3A_296 = arith.constant 0 : i32
      %dma_start3A_297 = tpu.memref_slice %arg4[%add3A, %add3A_257, %dma_start3A_295, %dma_start3A_296] : memref<32x400x64x256xf32, #tpu.memory_space<hbm>> -> memref<1x1x64x256xf32, #tpu.memory_space<hbm>>
      %dma_start3A_298 = tpu.memref_squeeze %dma_start3A_297 : memref<1x1x64x256xf32, #tpu.memory_space<hbm>> -> memref<64x256xf32, #tpu.memory_space<hbm>>
      %dma_start3A_299 = arith.constant 0 : i32
      %dma_start3A_300 = arith.constant 0 : i32
      %dma_start3A_301 = tpu.memref_slice %arg4[%add3A, %add3A_257, %dma_start3A_299, %dma_start3A_300] : memref<32x400x64x256xf32, #tpu.memory_space<hbm>> -> memref<1x1x64x256xf32, #tpu.memory_space<hbm>>
      %dma_start3A_302 = tpu.memref_squeeze %dma_start3A_301 : memref<1x1x64x256xf32, #tpu.memory_space<hbm>> -> memref<64x256xf32, #tpu.memory_space<hbm>>
      %dma_start3A_303 = arith.constant 0 : i32
      %dma_start3A_304 = arith.constant 0 : i32
      %dma_start3A_305 = tpu.memref_slice %arg6[%dma_start3A_290, %dma_start3A_303, %dma_start3A_304] : memref<4x64x256xf32, #tpu.memory_space<vmem>> -> memref<1x64x256xf32, #tpu.memory_space<vmem>>
      %dma_start3A_306 = tpu.memref_squeeze %dma_start3A_305 : memref<1x64x256xf32, #tpu.memory_space<vmem>> -> memref<64x256xf32, #tpu.memory_space<vmem>>
      tpu.enqueue_dma source(%dma_start3A_306 : memref<64x256xf32, #tpu.memory_space<vmem>>) target(%dma_start3A_302 : memref<64x256xf32, #tpu.memory_space<hbm>>) target_semaphore(%arg14 : memref<!tpu.dma_semaphore, #tpu.memory_space<semaphore_mem>>)
    }
    %scan3A_28 = arith.constant 100 : i32
    %dma_wait3A = arith.constant 0 : i32
    %dma_wait3A_29 = arith.constant 396 : i32
    %dma_wait3A_30 = arith.constant 0 : i32
    %dma_wait3A_31 = arith.constant 0 : i32
    %dma_wait3A_32 = tpu.memref_slice %arg6[%dma_wait3A, %dma_wait3A_30, %dma_wait3A_31] : memref<4x64x256xf32, #tpu.memory_space<vmem>> -> memref<1x64x256xf32, #tpu.memory_space<vmem>>
    %dma_wait3A_33 = tpu.memref_squeeze %dma_wait3A_32 : memref<1x64x256xf32, #tpu.memory_space<vmem>> -> memref<64x256xf32, #tpu.memory_space<vmem>>
    %dma_wait3A_34 = arith.constant 0 : i32
    %dma_wait3A_35 = arith.constant 0 : i32
    %dma_wait3A_36 = tpu.memref_slice %arg4[%add3A, %dma_wait3A_29, %dma_wait3A_34, %dma_wait3A_35] : memref<32x400x64x256xf32, #tpu.memory_space<hbm>> -> memref<1x1x64x256xf32, #tpu.memory_space<hbm>>
    %dma_wait3A_37 = tpu.memref_squeeze %dma_wait3A_36 : memref<1x1x64x256xf32, #tpu.memory_space<hbm>> -> memref<64x256xf32, #tpu.memory_space<hbm>>
    %dma_wait3A_38 = arith.constant 0 : i32
    %dma_wait3A_39 = arith.constant 0 : i32
    %dma_wait3A_40 = tpu.memref_slice %arg4[%add3A, %dma_wait3A_29, %dma_wait3A_38, %dma_wait3A_39] : memref<32x400x64x256xf32, #tpu.memory_space<hbm>> -> memref<1x1x64x256xf32, #tpu.memory_space<hbm>>
    %dma_wait3A_41 = tpu.memref_squeeze %dma_wait3A_40 : memref<1x1x64x256xf32, #tpu.memory_space<hbm>> -> memref<64x256xf32, #tpu.memory_space<hbm>>
    %dma_wait3A_42 = arith.constant 0 : i32
    %dma_wait3A_43 = arith.constant 0 : i32
    %dma_wait3A_44 = tpu.memref_slice %arg6[%dma_wait3A, %dma_wait3A_42, %dma_wait3A_43] : memref<4x64x256xf32, #tpu.memory_space<vmem>> -> memref<1x64x256xf32, #tpu.memory_space<vmem>>
    %dma_wait3A_45 = tpu.memref_squeeze %dma_wait3A_44 : memref<1x64x256xf32, #tpu.memory_space<vmem>> -> memref<64x256xf32, #tpu.memory_space<vmem>>
    tpu.wait_dma2 semaphore(%arg11 : memref<!tpu.dma_semaphore, #tpu.memory_space<semaphore_mem>>) src(%dma_wait3A_45 : memref<64x256xf32, #tpu.memory_space<vmem>>) dst(%dma_wait3A_41 : memref<64x256xf32, #tpu.memory_space<hbm>>)
    %dma_wait3A_46 = arith.constant 1 : i32
    %dma_wait3A_47 = arith.constant 397 : i32
    %dma_wait3A_48 = arith.constant 0 : i32
    %dma_wait3A_49 = arith.constant 0 : i32
    %dma_wait3A_50 = tpu.memref_slice %arg6[%dma_wait3A_46, %dma_wait3A_48, %dma_wait3A_49] : memref<4x64x256xf32, #tpu.memory_space<vmem>> -> memref<1x64x256xf32, #tpu.memory_space<vmem>>
    %dma_wait3A_51 = tpu.memref_squeeze %dma_wait3A_50 : memref<1x64x256xf32, #tpu.memory_space<vmem>> -> memref<64x256xf32, #tpu.memory_space<vmem>>
    %dma_wait3A_52 = arith.constant 0 : i32
    %dma_wait3A_53 = arith.constant 0 : i32
    %dma_wait3A_54 = tpu.memref_slice %arg4[%add3A, %dma_wait3A_47, %dma_wait3A_52, %dma_wait3A_53] : memref<32x400x64x256xf32, #tpu.memory_space<hbm>> -> memref<1x1x64x256xf32, #tpu.memory_space<hbm>>
    %dma_wait3A_55 = tpu.memref_squeeze %dma_wait3A_54 : memref<1x1x64x256xf32, #tpu.memory_space<hbm>> -> memref<64x256xf32, #tpu.memory_space<hbm>>
    %dma_wait3A_56 = arith.constant 0 : i32
    %dma_wait3A_57 = arith.constant 0 : i32
    %dma_wait3A_58 = tpu.memref_slice %arg4[%add3A, %dma_wait3A_47, %dma_wait3A_56, %dma_wait3A_57] : memref<32x400x64x256xf32, #tpu.memory_space<hbm>> -> memref<1x1x64x256xf32, #tpu.memory_space<hbm>>
    %dma_wait3A_59 = tpu.memref_squeeze %dma_wait3A_58 : memref<1x1x64x256xf32, #tpu.memory_space<hbm>> -> memref<64x256xf32, #tpu.memory_space<hbm>>
    %dma_wait3A_60 = arith.constant 0 : i32
    %dma_wait3A_61 = arith.constant 0 : i32
    %dma_wait3A_62 = tpu.memref_slice %arg6[%dma_wait3A_46, %dma_wait3A_60, %dma_wait3A_61] : memref<4x64x256xf32, #tpu.memory_space<vmem>> -> memref<1x64x256xf32, #tpu.memory_space<vmem>>
    %dma_wait3A_63 = tpu.memref_squeeze %dma_wait3A_62 : memref<1x64x256xf32, #tpu.memory_space<vmem>> -> memref<64x256xf32, #tpu.memory_space<vmem>>
    tpu.wait_dma2 semaphore(%arg12 : memref<!tpu.dma_semaphore, #tpu.memory_space<semaphore_mem>>) src(%dma_wait3A_63 : memref<64x256xf32, #tpu.memory_space<vmem>>) dst(%dma_wait3A_59 : memref<64x256xf32, #tpu.memory_space<hbm>>)
    %dma_wait3A_64 = arith.constant 2 : i32
    %dma_wait3A_65 = arith.constant 398 : i32
    %dma_wait3A_66 = arith.constant 0 : i32
    %dma_wait3A_67 = arith.constant 0 : i32
    %dma_wait3A_68 = tpu.memref_slice %arg6[%dma_wait3A_64, %dma_wait3A_66, %dma_wait3A_67] : memref<4x64x256xf32, #tpu.memory_space<vmem>> -> memref<1x64x256xf32, #tpu.memory_space<vmem>>
    %dma_wait3A_69 = tpu.memref_squeeze %dma_wait3A_68 : memref<1x64x256xf32, #tpu.memory_space<vmem>> -> memref<64x256xf32, #tpu.memory_space<vmem>>
    %dma_wait3A_70 = arith.constant 0 : i32
    %dma_wait3A_71 = arith.constant 0 : i32
    %dma_wait3A_72 = tpu.memref_slice %arg4[%add3A, %dma_wait3A_65, %dma_wait3A_70, %dma_wait3A_71] : memref<32x400x64x256xf32, #tpu.memory_space<hbm>> -> memref<1x1x64x256xf32, #tpu.memory_space<hbm>>
    %dma_wait3A_73 = tpu.memref_squeeze %dma_wait3A_72 : memref<1x1x64x256xf32, #tpu.memory_space<hbm>> -> memref<64x256xf32, #tpu.memory_space<hbm>>
    %dma_wait3A_74 = arith.constant 0 : i32
    %dma_wait3A_75 = arith.constant 0 : i32
    %dma_wait3A_76 = tpu.memref_slice %arg4[%add3A, %dma_wait3A_65, %dma_wait3A_74, %dma_wait3A_75] : memref<32x400x64x256xf32, #tpu.memory_space<hbm>> -> memref<1x1x64x256xf32, #tpu.memory_space<hbm>>
    %dma_wait3A_77 = tpu.memref_squeeze %dma_wait3A_76 : memref<1x1x64x256xf32, #tpu.memory_space<hbm>> -> memref<64x256xf32, #tpu.memory_space<hbm>>
    %dma_wait3A_78 = arith.constant 0 : i32
    %dma_wait3A_79 = arith.constant 0 : i32
    %dma_wait3A_80 = tpu.memref_slice %arg6[%dma_wait3A_64, %dma_wait3A_78, %dma_wait3A_79] : memref<4x64x256xf32, #tpu.memory_space<vmem>> -> memref<1x64x256xf32, #tpu.memory_space<vmem>>
    %dma_wait3A_81 = tpu.memref_squeeze %dma_wait3A_80 : memref<1x64x256xf32, #tpu.memory_space<vmem>> -> memref<64x256xf32, #tpu.memory_space<vmem>>
    tpu.wait_dma2 semaphore(%arg13 : memref<!tpu.dma_semaphore, #tpu.memory_space<semaphore_mem>>) src(%dma_wait3A_81 : memref<64x256xf32, #tpu.memory_space<vmem>>) dst(%dma_wait3A_77 : memref<64x256xf32, #tpu.memory_space<hbm>>)
    %dma_wait3A_82 = arith.constant 3 : i32
    %dma_wait3A_83 = arith.constant 399 : i32
    %dma_wait3A_84 = arith.constant 0 : i32
    %dma_wait3A_85 = arith.constant 0 : i32
    %dma_wait3A_86 = tpu.memref_slice %arg6[%dma_wait3A_82, %dma_wait3A_84, %dma_wait3A_85] : memref<4x64x256xf32, #tpu.memory_space<vmem>> -> memref<1x64x256xf32, #tpu.memory_space<vmem>>
    %dma_wait3A_87 = tpu.memref_squeeze %dma_wait3A_86 : memref<1x64x256xf32, #tpu.memory_space<vmem>> -> memref<64x256xf32, #tpu.memory_space<vmem>>
    %dma_wait3A_88 = arith.constant 0 : i32
    %dma_wait3A_89 = arith.constant 0 : i32
    %dma_wait3A_90 = tpu.memref_slice %arg4[%add3A, %dma_wait3A_83, %dma_wait3A_88, %dma_wait3A_89] : memref<32x400x64x256xf32, #tpu.memory_space<hbm>> -> memref<1x1x64x256xf32, #tpu.memory_space<hbm>>
    %dma_wait3A_91 = tpu.memref_squeeze %dma_wait3A_90 : memref<1x1x64x256xf32, #tpu.memory_space<hbm>> -> memref<64x256xf32, #tpu.memory_space<hbm>>
    %dma_wait3A_92 = arith.constant 0 : i32
    %dma_wait3A_93 = arith.constant 0 : i32
    %dma_wait3A_94 = tpu.memref_slice %arg4[%add3A, %dma_wait3A_83, %dma_wait3A_92, %dma_wait3A_93] : memref<32x400x64x256xf32, #tpu.memory_space<hbm>> -> memref<1x1x64x256xf32, #tpu.memory_space<hbm>>
    %dma_wait3A_95 = tpu.memref_squeeze %dma_wait3A_94 : memref<1x1x64x256xf32, #tpu.memory_space<hbm>> -> memref<64x256xf32, #tpu.memory_space<hbm>>
    %dma_wait3A_96 = arith.constant 0 : i32
    %dma_wait3A_97 = arith.constant 0 : i32
    %dma_wait3A_98 = tpu.memref_slice %arg6[%dma_wait3A_82, %dma_wait3A_96, %dma_wait3A_97] : memref<4x64x256xf32, #tpu.memory_space<vmem>> -> memref<1x64x256xf32, #tpu.memory_space<vmem>>
    %dma_wait3A_99 = tpu.memref_squeeze %dma_wait3A_98 : memref<1x64x256xf32, #tpu.memory_space<vmem>> -> memref<64x256xf32, #tpu.memory_space<vmem>>
    tpu.wait_dma2 semaphore(%arg14 : memref<!tpu.dma_semaphore, #tpu.memory_space<semaphore_mem>>) src(%dma_wait3A_99 : memref<64x256xf32, #tpu.memory_space<vmem>>) dst(%dma_wait3A_95 : memref<64x256xf32, #tpu.memory_space<hbm>>)
    return
  }
}

</mosaic_0001>

<sc_bundles>
// kernel: kernel.3.cloned.1.call-start
scs
__scs_entry_jumppad:
0x0: {  	(pc) =	sbr.rel $0x88, $3  }
0x1: {  	(tag) =	ssettag $0x0;
	lr =	simm.s32 $0x1  }
0x2: {  	[smem:$0x3F9F] =	sst lr;
	_ =	strace $0xD0000000  }
0x3: {  	_ = 	snop  }
0x4: {  	_ = 	snop  }
0x5: {  	_ = 	snop  }
0x6: {  	_ = 	snop  }
0x7: {  	_ = 	snop  }
__scs_overlays_trampoline_lowered:
0x8: {  	[smem:$0x3FAE] =	sst s0  }
0x9: {  	[smem:$0x3FAF] =	sst s1  }
0xa: {  	[smem:$0x3FB0] =	sst s2  }
0xb: {  	[smem:$0x3FB1] =	sst s3  }
0xc: {  	[smem:$0x3FB2] =	sst s4  }
0xd: {  	[smem:$0x3FB3] =	sst s5  }
0xe: {  	[smem:$0x3FB4] =	sst s6  }
0xf: {  	[smem:$0x3FB5] =	sst s7  }
0x10: {  	[smem:$0x3FB6] =	sst s8  }
0x11: {  	[smem:$0x3FB7] =	sst s9;
	s0 =	simm.s32 @!p0 $0x0  }
0x12: {  	s1 =	sld [smem:$0x3F9D];
	s0 =	simm.s32 @p0 $0x1  }
0x13: {  	[smem:$0x3FB8] =	sst s0;
	s0 =	simm.s32 @!p1 $0x0  }
0x14: {  	s2 =	sld [smem:$0x3F9C];
	s0 =	simm.s32 @p1 $0x1  }
0x15: {  	[smem:$0x3FB9] =	sst s0;
	s0 =	simm.s32 @!p2 $0x0  }
0x16: {  	s3 =	sld [smem:$0x3FDB];
	s0 =	simm.s32 @p2 $0x1  }
0x17: {  	s4 =	simm.s32 $0x1BF5;
	[smem:$0x3FBB] =	sst s0  }
0x18: {  	s0 =	sld [smem:$0x3F9E];
	_ =	swait.ge [sflag:s4], $0x0  }
0x19: {  	s7 =	sld [smem:$0x3F9F]  }
0x1a: {  	s8 =	sadd.s32 $0xFFFFE003, lr  }
0x1b: {  	s9 =	sadd.s32 $0xFFFFFEF7, lr;
	s5 =	simm.s32 $0xFFFFFFFF;
	p2 =	slt.u32 s8, $0xFFFFF086  }
0x1c: {  	p1 =	slt.u32 s9, $0xF7A;
	s5 =	simm.s32 @!p2 $0x0  }
0x1d: {  	s5 =	simm.s32 @p1 $0x1;
	p0 =	seq.s32 s7, s2  }
0x1e: {  	s7 =	smul.u32 @!p0 $0xF7A, s2;
	p2 =	seq.s32 @!p0 s5, $0x0  }
0x1f: {  	s9 =	smul.u32 $0xF7A, s1;
	s8 =	simm.s32 @!p0 $0x1BF5;
	p2 =	por !p2, p0  }
0x20: {  	[sflag:s8] =	ssyncset.s32 @!p0 $0xFFFFF086;
	s6 =	sadd.s32 @!p0 s3, s7;
	s7 =	simm.s32 @!p0 $0x108  }
0x21: {  	s3 =	sadd.s32 s3, s9;
	s6 =	sadd.s32 @!p0 $0x88, s6;
	s7 =	simm.s32 @p2 $0x1082  }
0x22: {  	[simem:s7], [sflag:s8] =	dma.local @!p0 [hbm:s6], $0xF7A  }
0x23: {  	s9 =	sor.u32 $0xD0000000, s2;
	s6 =	simm.s32 $0x108;
	_ =	swait.ge @!p0 [sflag:s8], $0x0  }
0x24: {  	s3 =	sadd.s32 $0x88, s3;
	s6 =	simm.s32 @!p1 $0x1082;
	[sflag:s4] =	ssyncset.s32 $0xFFFFF086  }
0x25: {  	[simem:s6], [sflag:s4] =	dma.local [hbm:s3], $0xF7A  }
0x26: {  	[smem:$0x3F9F] =	sst s1;
	(tag) =	ssettag s2;
	_ =	strace s9  }
0x27: {  	s1 =	sld [smem:$0x3FAF]  }
0x28: {  	s2 =	sld [smem:$0x3FB0]  }
0x29: {  	s4 =	sld [smem:$0x3FB2]  }
0x2a: {  	p0 =	seq.s32 s5, $0x0;
	s5 =	sld [smem:$0x3FB3]  }
0x2b: {  	s6 =	sld [smem:$0x3FB4]  }
0x2c: {  	s7 =	sld [smem:$0x3FB5]  }
0x2d: {  	s3 =	simm.s32 $0x108;
	s8 =	sld [smem:$0x3FB6]  }
0x2e: {  	s3 =	simm.s32 @!p0 $0x1082;
	s9 =	sld [smem:$0x3FB7]  }
0x2f: {  	lr =	sadd.s32 s0, s3;
	s0 =	sld [smem:$0x3FAE]  }
0x30: {  	s3 =	sld [smem:$0x3FB1]  }
0x31: {  	[smem:$0x3FBA] =	sst s10  }
0x32: {  	s10 =	sld [smem:$0x3FB8];
	_ =	sdelay $0x3  }
0x33: {  	p0 =	seq.s32 s10, $0x1;
	s10 =	sld [smem:$0x3FBA];
	_ =	sdelay $0x3  }
0x34: {  	[smem:$0x3FBA] =	sst s10  }
0x35: {  	s10 =	sld [smem:$0x3FB9];
	_ =	sdelay $0x3  }
0x36: {  	p1 =	seq.s32 s10, $0x1;
	s10 =	sld [smem:$0x3FBA];
	_ =	sdelay $0x3  }
0x37: {  	[smem:$0x3FBA] =	sst s10  }
0x38: {  	s10 =	sld [smem:$0x3FBB]  }
0x39: {  	_ = 	snop;
	(pc) =	sbr.ind lr, $3  }
0x3a: {  	_ = 	snop  }
0x3b: {  	_ = 	snop  }
0x3c: {  	p2 =	seq.s32 s10, $0x1;
	s10 =	sld [smem:$0x3FBA]  }
0x3d: {  	_ =	shalt  }
0x3e: {  	_ =	shalt  }
0x3f: {  	_ =	shalt  }
0x40: {  	_ =	shalt  }
0x41: {  	_ =	shalt  }
0x42: {  	_ =	shalt  }
0x43: {  	_ =	shalt  }
0x44: {  	_ =	shalt  }
0x45: {  	_ =	shalt  }
0x46: {  	_ =	shalt  }
0x47: {  	_ =	shalt  }
0x48: {  	_ =	shalt  }
0x49: {  	_ =	shalt  }
0x4a: {  	_ =	shalt  }
0x4b: {  	_ =	shalt  }
0x4c: {  	_ =	shalt  }
0x4d: {  	_ =	shalt  }
0x4e: {  	_ =	shalt  }
0x4f: {  	_ =	shalt  }
0x50: {  	_ =	shalt  }
0x51: {  	_ =	shalt  }
0x52: {  	_ =	shalt  }
0x53: {  	_ =	shalt  }
0x54: {  	_ =	shalt  }
0x55: {  	_ =	shalt  }
0x56: {  	_ =	shalt  }
0x57: {  	_ =	shalt  }
0x58: {  	_ =	shalt  }
0x59: {  	_ =	shalt  }
0x5a: {  	_ =	shalt  }
0x5b: {  	_ =	shalt  }
0x5c: {  	_ =	shalt  }
0x5d: {  	_ =	shalt  }
0x5e: {  	_ =	shalt  }
0x5f: {  	_ =	shalt  }
0x60: {  	_ =	shalt  }
0x61: {  	_ =	shalt  }
0x62: {  	_ =	shalt  }
0x63: {  	_ =	shalt  }
0x64: {  	_ =	shalt  }
0x65: {  	_ =	shalt  }
0x66: {  	_ =	shalt  }
0x67: {  	_ =	shalt  }
0x68: {  	_ =	shalt  }
0x69: {  	_ =	shalt  }
0x6a: {  	_ =	shalt  }
0x6b: {  	_ =	shalt  }
0x6c: {  	_ =	shalt  }
0x6d: {  	_ =	shalt  }
0x6e: {  	_ =	shalt  }
0x6f: {  	_ =	shalt  }
0x70: {  	_ =	shalt  }
0x71: {  	_ =	shalt  }
0x72: {  	_ =	shalt  }
0x73: {  	_ =	shalt  }
0x74: {  	_ =	shalt  }
0x75: {  	_ =	shalt  }
0x76: {  	_ =	shalt  }
0x77: {  	_ =	shalt  }
0x78: {  	_ =	shalt  }
0x79: {  	_ =	shalt  }
0x7a: {  	_ =	shalt  }
0x7b: {  	_ =	shalt  }
0x7c: {  	_ =	shalt  }
0x7d: {  	_ =	shalt  }
0x7e: {  	_ =	shalt  }
0x7f: {  	_ =	shalt  }
0x80: {  	_ =	shalt  }
0x81: {  	_ =	shalt  }
0x82: {  	_ =	shalt  }
0x83: {  	_ =	shalt  }
0x84: {  	_ =	shalt  }
0x85: {  	_ =	shalt  }
0x86: {  	_ =	shalt  }
0x87: {  	_ =	shalt  }
.Lfunc_end0:
.L_simem_size_0:
called_computation_lowered:
.L_overlay_start_0:
0x88: {  	s2 =	sld [smem:$0x3FD9]  }
0x89: {  	s3 =	sld [smem:$0x3FFE];
	_ =	sdelay $0x1  }
0x8a: {  	s1 =	srdreg.scid  }
0x8b: {  	s0 =	sand.u32 $0x1, s1  }
0x8c: {  	s17 =	sshll.u32 s0, $0xA;
	s2 =	sadd.s32 s3, s2  }
0x8d: {  	s2 =	sadd.s32 s2, s17  }
0x8e: {  	[smem:$0x3FC6] =	sst s2  }
0x8f: {  	_ = 	snop  }
0x90: {  	s2 =	sld [smem:$0x3FC8]  }
0x91: {  	s18 =	sld [smem:$0x3FD0];
	(tm) =	ssettm $0x1  }
0x92: {  	s4 =	sld [smem:$0x3FFB];
	_ =	sdelay $0x3  }
0x93: {  	_ =	strace s4  }
0x94: {  	s4 =	sld [smem:$0x3FFC];
	_ =	sdelay $0x3  }
0x95: {  	_ =	strace s4  }
0x96: {  	s4 =	sld [smem:$0x3FFD];
	_ =	sdelay $0x3  }
0x97: {  	_ =	strace s4  }
0x98: {  	_ =	strace $0x8FFFFFFF  }
0x99: {  	s19 =	sld [smem:$0x3FDB];
	_ =	sdelay $0x1  }
0x9a: {  	s5 =	simm.s32 $_scs_section_size  }
0x9b: {  	s6 =	simm.s32 $_size__tile_overlayer_lowered;
	s7 =	simm.s32 $_tile_overlayer_lowered  }
0x9c: {  	s22 =	simm.s32 $0x1BFF;
	s21 =	sshll.u32 s7, $0x1;
	s4 =	sadd.s32 s5, s19  }
0x9d: {  	s8 =	simm.s32 $0x0;
	s20 =	sshll.u32 s6, $0x1;
	s6 =	sadd.s32 s21, s4  }
0x9e: {  	[timem:s8], [sflag:s22] =	dma.local [hbm:s6], s20  }
0x9f: {  	_ =	swait.ge [sflag:s22], s20  }
0xa0: {  	s5 =	ssub.s32 $0x0, s20;
	[sflag:s22] =	ssyncset.done $0x0  }
0xa1: {  	[sflag:s22] =	ssyncadd.s32 s5;
	_ =	sdelay $0x1  }
0xa2: {  	s23 =	simm.s32 $0x1B8B  }
0xa3: {  	_ =	swait.ge [sflag:s23], $0x1  }
0xa4: {  	[sflag:s23] =	ssyncset.done $0x0  }
0xa5: {  	s25 =	simm.s32 $0x1B8E;
	s24 =	sld [smem:$0x3FFE];
	[sflag:s23] =	ssyncadd.s32 $0xFFFFFFFF  }
0xa6: {  	s26 =	simm.s32 $execute0_lowered;
	[smem:$0x3FD2] =	sst s25  }
0xa7: {  	s6 =	sshll.u32 s26, $0x1;
	_ =	strace $0x80000046;
	[dreg:$0x1] =	wrdreg $0xFFFFFFFF  }
0xa8: {  	s28 =	simm.s32 $_size_execute0_lowered;
	s4 =	sadd.s32 s4, s6;
	[dreg:$0x0] =	wrdreg $0x0  }
0xa9: {  	s6 =	sshll.u32 s28, $0x1;
	[dreg:$0x2] =	wrdreg s4  }
0xaa: {  	[dreg:$0x3] =	wrdreg s6  }
0xab: {  	[dreg:$0x4] =	wrdreg $0xC0  }
0xac: {  	_ =	task [dreg:s8], $0x5FFFF  }
0xad: {  	[dreg:$0x1] =	wrdreg $0xFFFFFFFF  }
0xae: {  	[dreg:$0x0] =	wrdreg $0x60  }
0xaf: {  	[dreg:$0x2] =	wrdreg s24  }
0xb0: {  	[dreg:$0x3] =	wrdreg s2  }
0xb1: {  	[dreg:$0x4] =	wrdreg s18  }
0xb2: {  	[dreg:$0x5] =	wrdreg $0x9  }
0xb3: {  	_ =	task.clear_ibuf [dreg:s8], $0x6FFFF;
	_ =	strace $0x90000046  }
0xb4: {  	s29 =	simm.s32 $0x9;
	_ =	strace $0x80000048  }
0xb5: {  	_ =	swait.ge [sflag:s29], $0x1  }
0xb6: {  	[sflag:s29] =	ssyncadd.s32 $0xFFFFFFFF  }
0xb7: {  	_ =	strace $0x90000048  }
0xb8: {  	_ =	sfence  }
0xb9: {  	s30 =	sld [smem:$0x0];
	_ =	sdelay $0x2  }
0xba: {  	s31 =	sshll.u32 s1, $0xD;
	s1 =	sshrl.u32 s1, $0x2  }
0xbb: {  	s3 =	sand.u32 $0x4000, s31;
	s1 =	sadd.s32 s1, s30  }
0xbc: {  	s0 =	sor.u32 s3, s0;
	s1 =	sshll.u32 s1, $0x11  }
0xbd: {  	s0 =	sor.u32 s1, s0  }
0xbe: {  	s0 =	sadd.s32 $0x8F2B, s0  }
0xbf: {  	[sflag:s0] =	ssyncadd.remote.s32 $0x1  }
0xc0: {  	_ =	sfence.sel $0xFFFF  }
0xc1: {  	[dreg:$0x0] =	wrdreg $0xFFFFFFFF;
	(pc) =	sbr.abs _section_cstart, $3  }
0xc2: {  	[dreg:$0x1] =	wrdreg $0xFFFFFFFF  }
0xc3: {  	_ =	task.clear_ibuf [dreg:s8], $0x2FFFF;
	_ =	strace $0x9FFFFFFF  }
0xc4: {  	(tm) =	ssettm $0x7FFFFFFF  }
0xc5: {  	_ =	shalt  }
tec
execute0_lowered:
.L_overlay_start_1:
0x0: {  	(tag) =	ssettag $0x1  }
0x1: {  	s0 =	rddreg [dreg:$0x0]  }
0x2: {  	s1 =	srdreg.scid;
	s2 =	rddreg [dreg:$0x1]  }
0x3: {  	s3 =	stileid.u32;
	s6 =	rddreg [dreg:$0x2];
	s13 =	simm.s32 $0x15000  }
0x4: {  	s14 =	simm.s32 $0x15800;
	s15 =	simm.s32 $0x16000;
	s16 =	simm.s32 $0x16800  }
0x5: {  	s17 =	simm.s32 $0x17000;
	s18 =	simm.s32 $0x17800;
	s19 =	simm.s32 $0x18000  }
0x6: {  	s4 =	smul.u32 $0xC80000, s3;
	s5 =	sshll.u32 s3, $0x1;
	s3 =	simm.s32 $0x0  }
0x7: {  	s20 =	simm.s32 $0x19000;
	s21 =	simm.s32 $0x19800;
	[smem:$0x7FF] =	sst s3  }
0x8: {  	s22 =	simm.s32 $0x1A000;
	_ =	strace $0x80000047;
	[dreg:$0x8] =	wrdreg s13  }
0x9: {  	s23 =	simm.s32 $0x1A800;
	s24 =	simm.s32 $0x1B000;
	[dreg:$0x9] =	wrdreg s14  }
0xa: {  	s28 =	simm.s32 $0x3;
	s29 =	simm.s32 $0x4;
	[dreg:$0xa] =	wrdreg s15  }
0xb: {  	s30 =	simm.s32 $0x5;
	s1 =	sand.u32 $0x1, s1;
	[dreg:$0xb] =	wrdreg s16  }
0xc: {  	s31 =	simm.s32 $0x6;
	s7 =	smul.u32 $0x640000, s1;
	[dreg:$0xc] =	wrdreg s17  }
0xd: {  	s5 =	sor.u32 s1, s5;
	s1 =	ssub.s32 $0x2, s1;
	[dreg:$0xd] =	wrdreg s18  }
0xe: {  	s5 =	smul.u32 $0x1900, s5;
	s25 =	sshrl.u32 s1, $0x1;
	[dreg:$0xe] =	wrdreg s19  }
0xf: {  	s13 =	simm.s32 $0xF800;
	s14 =	simm.s32 $0x10000;
	[dreg:$0xf] =	wrdreg s20  }
0x10: {  	s15 =	simm.s32 $0x10800;
	s16 =	simm.s32 $0x11000;
	[dreg:$0x10] =	wrdreg s21  }
0x11: {  	s17 =	simm.s32 $0x11800;
	s18 =	simm.s32 $0x12000;
	[dreg:$0x11] =	wrdreg s22  }
0x12: {  	s19 =	simm.s32 $0x12800;
	s20 =	simm.s32 $0x13000;
	[dreg:$0x12] =	wrdreg s23  }
0x13: {  	s21 =	simm.s32 $0x13800;
	[dreg:$0x13] =	wrdreg s24;
	s22 =	simm.s32 $0x14000  }
0x14: {  	s23 =	simm.s32 $0x14800;
	s24 =	simm.s32 $0x1;
	s7 =	sadd.s32 s7, s4  }
0x15: {  	s1 =	ssub.s32 s1, s25;
	s25 =	simm.s32 $0x1B800;
	s4 =	sor.u32 $0x8000, s7  }
0x16: {  	s0 =	sadd.s32 s5, s0;
	s8 =	sor.u32 $0xC000, s7;
	s10 =	sshrl.u32 s7, $0x3  }
0x17: {  	s7 =	sor.u32 $0x4000, s7;
	s5 =	smax.u32 s1, $0x1;
	[dreg:$0x14] =	wrdreg s25  }
0x18: {  	s25 =	simm.s32 $0x18800;
	s1 =	simm.s32 $0x7;
	s4 =	sshrl.u32 s4, $0x3  }
0x19: {  	s9 =	sshrl.u32 s8, $0x3;
	s11 =	sadd.s32 s10, s6;
	s7 =	sshrl.u32 s7, $0x3  }
0x1a: {  	s8 =	simm.s32 $0x0;
	s26 =	sadd.s32 s4, s6;
	[dreg:$0x6] =	wrdreg s11  }
0x1b: {  	s4 =	sadd.s32 $0x400, s0;
	s0 =	sadd.s32 s9, s6;
	[dreg:$0x4] =	wrdreg s26  }
0x1c: {  	v2 =	vlaneseq.u32;
	s12 =	sadd.s32 s7, s6;
	s6 =	simm.s32 $0x9;
	[dreg:$0x5] =	wrdreg s0  }
0x1d: {  	vm0 =	vmmov $0xffff;
	v1 =	vshrl.u32 v2, $0x3;
	s7 =	simm.s32 $0xC800;
	[dreg:$0x7] =	wrdreg s12;
	s26 =	simm.s32 $0x1C000  }
0x1e: {  	v0 =	vand.u32 $0x7, v2;
	v2 =	vor.u32 $0x8, v2;
	v1 =	vmul.u32 $0x8, v1;
	s0 =	simm.s32 $0x8;
	[dreg:$0x15] =	wrdreg s26;
	s26 =	simm.s32 $0x2  }
.LBB2_1:
0x1f: {  	[tilespmem:s3], [sflag:$0x9] =	stream.linear.gather [hbm4b:s4+s3], $0xC800, $0x38;
	[tilespmem:$0x1C800] =	vst v63  }
0x20: {  	_ =	swait.ge [sflag:s6], $0xC800  }
0x21: {  	[sflag:s6] =	ssyncset.done $0x0  }
0x22: {  	[sflag:s6] =	ssyncadd.s32 $0xFFFF3800  }
0x23: {  	v3 =	vld [tilespmem:$0x0];
	_ =	sdelay $0x4  }
0x24: {  	v4 =	vshll.u32 v3, $0x1  }
0x25: {  	v3 =	vand.u32 $0x7, v3;
	v4 =	vand.u32 $0xFFFFFFF0, v4  }
0x26: {  	v3 =	vor.u32 v3, v4  }
0x27: {  	v4 =	vperm.xlane v3, v0;
	_ =	sdelay $0x1  }
0x28: {  	v3 =	vperm.xlane v3, v2;
	v4 =	vadd.s32 v1, v4;
	_ =	sdelay $0x1  }
0x29: {  	v3 =	vadd.s32 v1, v3;
	_ =	sdelay $0x2  }
0x2a: {  	[tilespmem:s7], [sflag:$0x1] =	stream.indirect_vreg.gather [hbm4b:s2+s3], $0x80, v4, vm0, $0xb8;
	[tilespmem:$0x1C800] =	vst v63  }
0x2b: {  	s9 =	simm.s32 $0xD000  }
0x2c: {  	[tilespmem:s9], [sflag:$0x1] =	stream.indirect_vreg.gather [hbm4b:s2+s3], $0x80, v3, vm0, $0xb8;
	[tilespmem:$0x1C800] =	vst v63  }
0x2d: {  	v3 =	vld [tilespmem:$0x10];
	_ =	sdelay $0x4  }
0x2e: {  	v57 =	vshll.u32 v3, $0x1  }
0x2f: {  	v3 =	vand.u32 $0x7, v3;
	v4 =	vand.u32 $0xFFFFFFF0, v57  }
0x30: {  	v3 =	vor.u32 v3, v4  }
0x31: {  	v4 =	vperm.xlane v3, v0;
	_ =	sdelay $0x1  }
0x32: {  	v3 =	vperm.xlane v3, v2;
	v4 =	vadd.s32 v1, v4;
	_ =	sdelay $0x1  }
0x33: {  	v3 =	vadd.s32 v1, v3;
	_ =	sdelay $0x1  }
0x34: {  	s12 =	simm.s32 $0xD800  }
0x35: {  	[tilespmem:s12], [sflag:$0x1] =	stream.indirect_vreg.gather [hbm4b:s2+s3], $0x80, v4, vm0, $0xb8;
	[tilespmem:$0x1C800] =	vst v63  }
0x36: {  	s10 =	simm.s32 $0xE000  }
0x37: {  	[tilespmem:s10], [sflag:$0x1] =	stream.indirect_vreg.gather [hbm4b:s2+s3], $0x80, v3, vm0, $0xb8;
	[tilespmem:$0x1C800] =	vst v63  }
0x38: {  	v3 =	vld [tilespmem:$0x20];
	_ =	sdelay $0x4  }
0x39: {  	v58 =	vshll.u32 v3, $0x1  }
0x3a: {  	v3 =	vand.u32 $0x7, v3;
	v4 =	vand.u32 $0xFFFFFFF0, v58  }
0x3b: {  	v3 =	vor.u32 v3, v4  }
0x3c: {  	v4 =	vperm.xlane v3, v0;
	_ =	sdelay $0x1  }
0x3d: {  	v3 =	vperm.xlane v3, v2;
	v4 =	vadd.s32 v1, v4;
	_ =	sdelay $0x1  }
0x3e: {  	v3 =	vadd.s32 v1, v3;
	_ =	sdelay $0x1  }
0x3f: {  	s11 =	simm.s32 $0xE800  }
0x40: {  	[tilespmem:s11], [sflag:$0x1] =	stream.indirect_vreg.gather [hbm4b:s2+s3], $0x80, v4, vm0, $0xb8;
	[tilespmem:$0x1C800] =	vst v63  }
0x41: {  	s12 =	simm.s32 $0xF000  }
0x42: {  	[tilespmem:s12], [sflag:$0x1] =	stream.indirect_vreg.gather [hbm4b:s2+s3], $0x80, v3, vm0, $0xb8;
	[tilespmem:$0x1C800] =	vst v63  }
0x43: {  	v3 =	vld [tilespmem:$0x30];
	_ =	sdelay $0x4  }
0x44: {  	v59 =	vshll.u32 v3, $0x1  }
0x45: {  	v3 =	vand.u32 $0x7, v3;
	v4 =	vand.u32 $0xFFFFFFF0, v59  }
0x46: {  	v3 =	vor.u32 v3, v4  }
0x47: {  	v4 =	vperm.xlane v3, v0;
	_ =	sdelay $0x1  }
0x48: {  	v3 =	vperm.xlane v3, v2;
	v4 =	vadd.s32 v1, v4;
	_ =	sdelay $0x1  }
0x49: {  	v3 =	vadd.s32 v1, v3;
	_ =	sdelay $0x2  }
0x4a: {  	[tilespmem:s13], [sflag:$0x1] =	stream.indirect_vreg.gather [hbm4b:s2+s3], $0x80, v4, vm0, $0xb8;
	[tilespmem:$0x1C800] =	vst v63  }
0x4b: {  	_ = 	snop  }
0x4c: {  	[tilespmem:s14], [sflag:$0x1] =	stream.indirect_vreg.gather [hbm4b:s2+s3], $0x80, v3, vm0, $0xb8;
	[tilespmem:$0x1C800] =	vst v63  }
0x4d: {  	v3 =	vld [tilespmem:$0x80];
	_ =	sdelay $0x4  }
0x4e: {  	v60 =	vshll.u32 v3, $0x1  }
0x4f: {  	v3 =	vand.u32 $0x7, v3;
	v4 =	vand.u32 $0xFFFFFFF0, v60  }
0x50: {  	v3 =	vor.u32 v3, v4  }
0x51: {  	v4 =	vperm.xlane v3, v0;
	_ =	sdelay $0x1  }
0x52: {  	v3 =	vperm.xlane v3, v2;
	v4 =	vadd.s32 v1, v4;
	_ =	sdelay $0x1  }
0x53: {  	v3 =	vadd.s32 v1, v3;
	_ =	sdelay $0x2  }
0x54: {  	[tilespmem:s15], [sflag:$0x2] =	stream.indirect_vreg.gather [hbm4b:s2+s3], $0x80, v4, vm0, $0xb8;
	[tilespmem:$0x1C800] =	vst v63  }
0x55: {  	_ = 	snop  }
0x56: {  	[tilespmem:s16], [sflag:$0x2] =	stream.indirect_vreg.gather [hbm4b:s2+s3], $0x80, v3, vm0, $0xb8;
	[tilespmem:$0x1C800] =	vst v63  }
0x57: {  	v3 =	vld [tilespmem:$0x90];
	_ =	sdelay $0x4  }
0x58: {  	v61 =	vshll.u32 v3, $0x1  }
0x59: {  	v3 =	vand.u32 $0x7, v3;
	v4 =	vand.u32 $0xFFFFFFF0, v61  }
0x5a: {  	v3 =	vor.u32 v3, v4  }
0x5b: {  	v4 =	vperm.xlane v3, v0;
	_ =	sdelay $0x1  }
0x5c: {  	v3 =	vperm.xlane v3, v2;
	v4 =	vadd.s32 v1, v4;
	_ =	sdelay $0x1  }
0x5d: {  	v3 =	vadd.s32 v1, v3;
	_ =	sdelay $0x2  }
0x5e: {  	[tilespmem:s17], [sflag:$0x2] =	stream.indirect_vreg.gather [hbm4b:s2+s3], $0x80, v4, vm0, $0xb8;
	[tilespmem:$0x1C800] =	vst v63  }
0x5f: {  	_ = 	snop  }
0x60: {  	[tilespmem:s18], [sflag:$0x2] =	stream.indirect_vreg.gather [hbm4b:s2+s3], $0x80, v3, vm0, $0xb8;
	[tilespmem:$0x1C800] =	vst v63  }
0x61: {  	v3 =	vld [tilespmem:$0xA0];
	_ =	sdelay $0x4  }
0x62: {  	v62 =	vshll.u32 v3, $0x1  }
0x63: {  	v3 =	vand.u32 $0x7, v3;
	v4 =	vand.u32 $0xFFFFFFF0, v62  }
0x64: {  	v3 =	vor.u32 v3, v4  }
0x65: {  	v4 =	vperm.xlane v3, v0;
	_ =	sdelay $0x1  }
0x66: {  	v3 =	vperm.xlane v3, v2;
	v4 =	vadd.s32 v1, v4;
	_ =	sdelay $0x1  }
0x67: {  	v3 =	vadd.s32 v1, v3;
	_ =	sdelay $0x2  }
0x68: {  	[tilespmem:s19], [sflag:$0x2] =	stream.indirect_vreg.gather [hbm4b:s2+s3], $0x80, v4, vm0, $0xb8;
	[tilespmem:$0x1C800] =	vst v63  }
0x69: {  	_ = 	snop  }
0x6a: {  	[tilespmem:s20], [sflag:$0x2] =	stream.indirect_vreg.gather [hbm4b:s2+s3], $0x80, v3, vm0, $0xb8;
	[tilespmem:$0x1C800] =	vst v63  }
0x6b: {  	v3 =	vld [tilespmem:$0xB0];
	_ =	sdelay $0x4  }
0x6c: {  	v63 =	vshll.u32 v3, $0x1  }
0x6d: {  	v3 =	vand.u32 $0x7, v3;
	v4 =	vand.u32 $0xFFFFFFF0, v63  }
0x6e: {  	v3 =	vor.u32 v3, v4  }
0x6f: {  	v4 =	vperm.xlane v3, v0;
	_ =	sdelay $0x1  }
0x70: {  	v3 =	vperm.xlane v3, v2;
	v4 =	vadd.s32 v1, v4;
	_ =	sdelay $0x1  }
0x71: {  	v3 =	vadd.s32 v1, v3;
	_ =	sdelay $0x2  }
0x72: {  	[tilespmem:s21], [sflag:$0x2] =	stream.indirect_vreg.gather [hbm4b:s2+s3], $0x80, v4, vm0, $0xb8;
	[tilespmem:$0x1C800] =	vst v63  }
0x73: {  	s9 =	simm.s32 $0x180;
	s10 =	simm.s32 $0x0  }
0x74: {  	[tilespmem:s22], [sflag:$0x2] =	stream.indirect_vreg.gather [hbm4b:s2+s3], $0x80, v3, vm0, $0xb8;
	[tilespmem:$0x1C800] =	vst v63  }
.LBB2_2:
0x75: {  	p0 =	seq.s32 s10, $0x0  }
0x76: {  	s11 =	simm.s32 @!p0 $0x7  }
0x77: {  	_ =	swait.ge @!p0 [sflag:s11], $0x4000  }
0x78: {  	[sflag:s11] =	ssyncset.done @!p0 $0x0  }
0x79: {  	[sflag:s11] =	ssyncadd.s32 @!p0 $0xFFFFC000  }
0x7a: {  	v3 =	vld [tilespmem:s9+$0xFFFFFF80];
	_ =	sdelay $0x4  }
0x7b: {  	v4 =	vshll.u32 v3, $0x1  }
0x7c: {  	v3 =	vand.u32 $0x7, v3;
	v4 =	vand.u32 $0xFFFFFFF0, v4  }
0x7d: {  	v3 =	vor.u32 v3, v4  }
0x7e: {  	v4 =	vperm.xlane v3, v0;
	_ =	sdelay $0x1  }
0x7f: {  	v3 =	vperm.xlane v3, v2;
	v4 =	vadd.s32 v1, v4;
	_ =	sdelay $0x1  }
0x80: {  	v3 =	vadd.s32 v1, v3;
	_ =	sdelay $0x2  }
0x81: {  	[tilespmem:s23], [sflag:$0x3] =	stream.indirect_vreg.gather [hbm4b:s2+s3], $0x80, v4, vm0, $0xb8;
	[tilespmem:$0x1C800] =	vst v63  }
0x82: {  	s12 =	rddreg [dreg:$0x8]  }
0x83: {  	[tilespmem:s12], [sflag:$0x3] =	stream.indirect_vreg.gather [hbm4b:s2+s3], $0x80, v3, vm0, $0xb8;
	[tilespmem:$0x1C800] =	vst v63  }
0x84: {  	v3 =	vld [tilespmem:s9+$0xFFFFFF90];
	_ =	sdelay $0x4  }
0x85: {  	v57 =	vshll.u32 v3, $0x1  }
0x86: {  	v3 =	vand.u32 $0x7, v3;
	v4 =	vand.u32 $0xFFFFFFF0, v57  }
0x87: {  	v3 =	vor.u32 v3, v4  }
0x88: {  	v4 =	vperm.xlane v3, v0;
	_ =	sdelay $0x1  }
0x89: {  	v3 =	vperm.xlane v3, v2;
	v4 =	vadd.s32 v1, v4;
	_ =	sdelay $0x1  }
0x8a: {  	v3 =	vadd.s32 v1, v3;
	_ =	sdelay $0x1  }
0x8b: {  	s11 =	rddreg [dreg:$0x9]  }
0x8c: {  	[tilespmem:s11], [sflag:$0x3] =	stream.indirect_vreg.gather [hbm4b:s2+s3], $0x80, v4, vm0, $0xb8;
	[tilespmem:$0x1C800] =	vst v63  }
0x8d: {  	s12 =	rddreg [dreg:$0xa]  }
0x8e: {  	[tilespmem:s12], [sflag:$0x3] =	stream.indirect_vreg.gather [hbm4b:s2+s3], $0x80, v3, vm0, $0xb8;
	[tilespmem:$0x1C800] =	vst v63  }
0x8f: {  	v3 =	vld [tilespmem:s9+$0xFFFFFFA0];
	_ =	sdelay $0x4  }
0x90: {  	v58 =	vshll.u32 v3, $0x1  }
0x91: {  	v3 =	vand.u32 $0x7, v3;
	v4 =	vand.u32 $0xFFFFFFF0, v58  }
0x92: {  	v3 =	vor.u32 v3, v4  }
0x93: {  	v4 =	vperm.xlane v3, v0;
	_ =	sdelay $0x1  }
0x94: {  	v3 =	vperm.xlane v3, v2;
	v4 =	vadd.s32 v1, v4;
	_ =	sdelay $0x1  }
0x95: {  	v3 =	vadd.s32 v1, v3;
	_ =	sdelay $0x1  }
0x96: {  	s11 =	rddreg [dreg:$0xb]  }
0x97: {  	[tilespmem:s11], [sflag:$0x3] =	stream.indirect_vreg.gather [hbm4b:s2+s3], $0x80, v4, vm0, $0xb8;
	[tilespmem:$0x1C800] =	vst v63  }
0x98: {  	s12 =	rddreg [dreg:$0xc]  }
0x99: {  	[tilespmem:s12], [sflag:$0x3] =	stream.indirect_vreg.gather [hbm4b:s2+s3], $0x80, v3, vm0, $0xb8;
	[tilespmem:$0x1C800] =	vst v63  }
0x9a: {  	v3 =	vld [tilespmem:s9+$0xFFFFFFB0];
	_ =	sdelay $0x4  }
0x9b: {  	v59 =	vshll.u32 v3, $0x1  }
0x9c: {  	v3 =	vand.u32 $0x7, v3;
	v4 =	vand.u32 $0xFFFFFFF0, v59  }
0x9d: {  	v3 =	vor.u32 v3, v4  }
0x9e: {  	v4 =	vperm.xlane v3, v0;
	_ =	sdelay $0x1  }
0x9f: {  	v3 =	vperm.xlane v3, v2;
	v4 =	vadd.s32 v1, v4;
	_ =	sdelay $0x1  }
0xa0: {  	v3 =	vadd.s32 v1, v3;
	_ =	sdelay $0x1  }
0xa1: {  	s11 =	rddreg [dreg:$0xd]  }
0xa2: {  	[tilespmem:s11], [sflag:$0x3] =	stream.indirect_vreg.gather [hbm4b:s2+s3], $0x80, v4, vm0, $0xb8;
	[tilespmem:$0x1C800] =	vst v63  }
0xa3: {  	s12 =	rddreg [dreg:$0xe]  }
0xa4: {  	[tilespmem:s12], [sflag:$0x3] =	stream.indirect_vreg.gather [hbm4b:s2+s3], $0x80, v3, vm0, $0xb8;
	[tilespmem:$0x1C800] =	vst v63  }
0xa5: {  	_ =	swait.ge [sflag:s24], $0x4000  }
0xa6: {  	s12 =	rddreg [dreg:$0x6];
	[sflag:s24] =	ssyncset.done $0x0  }
0xa7: {  	[sflag:s24] =	ssyncadd.s32 $0xFFFFC000;
	s11 =	sadd.s32 s10, s12  }
0xa8: {  	[hbm4b:s11+s3] =	stream.linear.scatter [tilespmem:s7], [sflag:$0x5], $0x4000, $0x38;
	[tilespmem:$0x1C800] =	vst v63  }
0xa9: {  	s11 =	simm.s32 @!p0 $0x8  }
0xaa: {  	_ =	swait.ge @!p0 [sflag:s11], $0x4000  }
0xab: {  	[sflag:s11] =	ssyncset.done @!p0 $0x0  }
0xac: {  	[sflag:s11] =	ssyncadd.s32 @!p0 $0xFFFFC000  }
0xad: {  	v3 =	vld [tilespmem:s9+$0x0];
	_ =	sdelay $0x4  }
0xae: {  	v60 =	vshll.u32 v3, $0x1  }
0xaf: {  	v3 =	vand.u32 $0x7, v3;
	v4 =	vand.u32 $0xFFFFFFF0, v60  }
0xb0: {  	v3 =	vor.u32 v3, v4  }
0xb1: {  	v4 =	vperm.xlane v3, v0;
	_ =	sdelay $0x1  }
0xb2: {  	v3 =	vperm.xlane v3, v2;
	v4 =	vadd.s32 v1, v4;
	_ =	sdelay $0x1  }
0xb3: {  	v3 =	vadd.s32 v1, v3;
	_ =	sdelay $0x2  }
0xb4: {  	[tilespmem:s25], [sflag:$0x4] =	stream.indirect_vreg.gather [hbm4b:s2+s3], $0x80, v4, vm0, $0xb8;
	[tilespmem:$0x1C800] =	vst v63  }
0xb5: {  	s12 =	rddreg [dreg:$0xf]  }
0xb6: {  	[tilespmem:s12], [sflag:$0x4] =	stream.indirect_vreg.gather [hbm4b:s2+s3], $0x80, v3, vm0, $0xb8;
	[tilespmem:$0x1C800] =	vst v63  }
0xb7: {  	v3 =	vld [tilespmem:s9+$0x10];
	_ =	sdelay $0x4  }
0xb8: {  	v61 =	vshll.u32 v3, $0x1  }
0xb9: {  	v3 =	vand.u32 $0x7, v3;
	v4 =	vand.u32 $0xFFFFFFF0, v61  }
0xba: {  	v3 =	vor.u32 v3, v4  }
0xbb: {  	v4 =	vperm.xlane v3, v0;
	_ =	sdelay $0x1  }
0xbc: {  	v3 =	vperm.xlane v3, v2;
	v4 =	vadd.s32 v1, v4;
	_ =	sdelay $0x1  }
0xbd: {  	v3 =	vadd.s32 v1, v3;
	_ =	sdelay $0x1  }
0xbe: {  	s11 =	rddreg [dreg:$0x10]  }
0xbf: {  	[tilespmem:s11], [sflag:$0x4] =	stream.indirect_vreg.gather [hbm4b:s2+s3], $0x80, v4, vm0, $0xb8;
	[tilespmem:$0x1C800] =	vst v63  }
0xc0: {  	s12 =	rddreg [dreg:$0x11]  }
0xc1: {  	[tilespmem:s12], [sflag:$0x4] =	stream.indirect_vreg.gather [hbm4b:s2+s3], $0x80, v3, vm0, $0xb8;
	[tilespmem:$0x1C800] =	vst v63  }
0xc2: {  	v3 =	vld [tilespmem:s9+$0x20];
	_ =	sdelay $0x4  }
0xc3: {  	v62 =	vshll.u32 v3, $0x1  }
0xc4: {  	v3 =	vand.u32 $0x7, v3;
	v4 =	vand.u32 $0xFFFFFFF0, v62  }
0xc5: {  	v3 =	vor.u32 v3, v4  }
0xc6: {  	v4 =	vperm.xlane v3, v0;
	_ =	sdelay $0x1  }
0xc7: {  	v3 =	vperm.xlane v3, v2;
	v4 =	vadd.s32 v1, v4;
	_ =	sdelay $0x1  }
0xc8: {  	v3 =	vadd.s32 v1, v3;
	_ =	sdelay $0x1  }
0xc9: {  	s11 =	rddreg [dreg:$0x12]  }
0xca: {  	[tilespmem:s11], [sflag:$0x4] =	stream.indirect_vreg.gather [hbm4b:s2+s3], $0x80, v4, vm0, $0xb8;
	[tilespmem:$0x1C800] =	vst v63  }
0xcb: {  	s12 =	rddreg [dreg:$0x13]  }
0xcc: {  	[tilespmem:s12], [sflag:$0x4] =	stream.indirect_vreg.gather [hbm4b:s2+s3], $0x80, v3, vm0, $0xb8;
	[tilespmem:$0x1C800] =	vst v63  }
0xcd: {  	v3 =	vld [tilespmem:s9+$0x30];
	_ =	sdelay $0x4  }
0xce: {  	v63 =	vshll.u32 v3, $0x1  }
0xcf: {  	v3 =	vand.u32 $0x7, v3;
	v4 =	vand.u32 $0xFFFFFFF0, v63  }
0xd0: {  	v3 =	vor.u32 v3, v4  }
0xd1: {  	v4 =	vperm.xlane v3, v0;
	_ =	sdelay $0x1  }
0xd2: {  	v3 =	vperm.xlane v3, v2;
	v4 =	vadd.s32 v1, v4;
	_ =	sdelay $0x1  }
0xd3: {  	v3 =	vadd.s32 v1, v3;
	_ =	sdelay $0x1  }
0xd4: {  	s11 =	rddreg [dreg:$0x14]  }
0xd5: {  	[tilespmem:s11], [sflag:$0x4] =	stream.indirect_vreg.gather [hbm4b:s2+s3], $0x80, v4, vm0, $0xb8;
	[tilespmem:$0x1C800] =	vst v63  }
0xd6: {  	s12 =	rddreg [dreg:$0x15]  }
0xd7: {  	[tilespmem:s12], [sflag:$0x4] =	stream.indirect_vreg.gather [hbm4b:s2+s3], $0x80, v3, vm0, $0xb8;
	[tilespmem:$0x1C800] =	vst v63  }
0xd8: {  	_ =	swait.ge [sflag:s26], $0x4000  }
0xd9: {  	s12 =	rddreg [dreg:$0x7];
	[sflag:s26] =	ssyncset.done $0x0  }
0xda: {  	p0 =	seq.s32 s10, $0xC6000;
	[sflag:s26] =	ssyncadd.s32 $0xFFFFC000;
	s11 =	sadd.s32 s10, s12  }
0xdb: {  	[hbm4b:s11+s3] =	stream.linear.scatter [tilespmem:s15], [sflag:$0x6], $0x4000, $0x38;
	[tilespmem:$0x1C800] =	vst v63  }
0xdc: {  	s11 =	simm.s32 @!p0 $0x5  }
0xdd: {  	_ =	swait.ge @!p0 [sflag:s11], $0x4000  }
0xde: {  	[sflag:s11] =	ssyncset.done @!p0 $0x0  }
0xdf: {  	[sflag:s11] =	ssyncadd.s32 @!p0 $0xFFFFC000  }
0xe0: {  	v3 =	vld @!p0 [tilespmem:s9+$0x80];
	_ =	sdelay $0x4  }
0xe1: {  	v4 =	vshll.u32 @!p0 v3, $0x1  }
0xe2: {  	v5 =	vlaneseq.u32 @!p0;
	v3 =	vand.u32 @!p0 $0x7, v3;
	v4 =	vand.u32 @!p0 $0xFFFFFFF0, v4  }
0xe3: {  	v6 =	vshrl.u32 @!p0 v5, $0x3;
	v3 =	vor.u32 @!p0 v3, v4;
	v4 =	vand.u32 @!p0 $0x7, v5  }
0xe4: {  	v6 =	vmul.u32 @!p0 $0x8, v6;
	v7 =	vperm.xlane @!p0 v3, v4  }
0xe5: {  	v5 =	vor.u32 @!p0 $0x8, v5  }
0xe6: {  	v3 =	vperm.xlane @!p0 v3, v5;
	v7 =	vadd.s32 @!p0 v6, v7;
	_ =	sdelay $0x1  }
0xe7: {  	v3 =	vadd.s32 @!p0 v6, v3;
	_ =	sdelay $0x1  }
0xe8: {  	vm1 =	vmmov @!p0 $0xffff;
	s12 =	simm.s32 @!p0 $0xC800;
	s11 =	simm.s32 @!p0 $0x0  }
0xe9: {  	[tilespmem:s12], [sflag:$0x1] =	stream.indirect_vreg.gather @!p0 [hbm4b:s2+s11], $0x80, v7, vm1, $0xb8;
	[tilespmem:$0x1C800] =	vst v63  }
0xea: {  	s12 =	simm.s32 @!p0 $0xD000  }
0xeb: {  	[tilespmem:s12], [sflag:$0x1] =	stream.indirect_vreg.gather @!p0 [hbm4b:s2+s11], $0x80, v3, vm1, $0xb8;
	[tilespmem:$0x1C800] =	vst v63  }
0xec: {  	v3 =	vld @!p0 [tilespmem:s9+$0x90];
	_ =	sdelay $0x4  }
0xed: {  	v7 =	vshll.u32 @!p0 v3, $0x1  }
0xee: {  	v3 =	vand.u32 @!p0 $0x7, v3;
	v7 =	vand.u32 @!p0 $0xFFFFFFF0, v7  }
0xef: {  	v3 =	vor.u32 @!p0 v3, v7  }
0xf0: {  	v7 =	vperm.xlane @!p0 v3, v4;
	_ =	sdelay $0x1  }
0xf1: {  	v3 =	vperm.xlane @!p0 v3, v5;
	v7 =	vadd.s32 @!p0 v6, v7;
	_ =	sdelay $0x1  }
0xf2: {  	v3 =	vadd.s32 @!p0 v6, v3;
	_ =	sdelay $0x1  }
0xf3: {  	s12 =	simm.s32 @!p0 $0xD800  }
0xf4: {  	[tilespmem:s12], [sflag:$0x1] =	stream.indirect_vreg.gather @!p0 [hbm4b:s2+s11], $0x80, v7, vm1, $0xb8;
	[tilespmem:$0x1C800] =	vst v63  }
0xf5: {  	s12 =	simm.s32 @!p0 $0xE000  }
0xf6: {  	[tilespmem:s12], [sflag:$0x1] =	stream.indirect_vreg.gather @!p0 [hbm4b:s2+s11], $0x80, v3, vm1, $0xb8;
	[tilespmem:$0x1C800] =	vst v63  }
0xf7: {  	v3 =	vld @!p0 [tilespmem:s9+$0xA0];
	_ =	sdelay $0x4  }
0xf8: {  	v7 =	vshll.u32 @!p0 v3, $0x1  }
0xf9: {  	v3 =	vand.u32 @!p0 $0x7, v3;
	v7 =	vand.u32 @!p0 $0xFFFFFFF0, v7  }
0xfa: {  	v3 =	vor.u32 @!p0 v3, v7  }
0xfb: {  	v7 =	vperm.xlane @!p0 v3, v4;
	_ =	sdelay $0x1  }
0xfc: {  	v3 =	vperm.xlane @!p0 v3, v5;
	v7 =	vadd.s32 @!p0 v6, v7;
	_ =	sdelay $0x1  }
0xfd: {  	v3 =	vadd.s32 @!p0 v6, v3;
	_ =	sdelay $0x1  }
0xfe: {  	s12 =	simm.s32 @!p0 $0xE800  }
0xff: {  	[tilespmem:s12], [sflag:$0x1] =	stream.indirect_vreg.gather @!p0 [hbm4b:s2+s11], $0x80, v7, vm1, $0xb8;
	[tilespmem:$0x1C800] =	vst v63  }
0x100: {  	s12 =	simm.s32 @!p0 $0xF000  }
0x101: {  	[tilespmem:s12], [sflag:$0x1] =	stream.indirect_vreg.gather @!p0 [hbm4b:s2+s11], $0x80, v3, vm1, $0xb8;
	[tilespmem:$0x1C800] =	vst v63  }
0x102: {  	v3 =	vld @!p0 [tilespmem:s9+$0xB0];
	_ =	sdelay $0x4  }
0x103: {  	v7 =	vshll.u32 @!p0 v3, $0x1  }
0x104: {  	v3 =	vand.u32 @!p0 $0x7, v3;
	v7 =	vand.u32 @!p0 $0xFFFFFFF0, v7  }
0x105: {  	v3 =	vor.u32 @!p0 v3, v7  }
0x106: {  	v7 =	vperm.xlane @!p0 v3, v4;
	_ =	sdelay $0x1  }
0x107: {  	v3 =	vperm.xlane @!p0 v3, v5;
	v7 =	vadd.s32 @!p0 v6, v7;
	_ =	sdelay $0x1  }
0x108: {  	v3 =	vadd.s32 @!p0 v6, v3;
	_ =	sdelay $0x1  }
0x109: {  	s12 =	simm.s32 @!p0 $0xF800  }
0x10a: {  	[tilespmem:s12], [sflag:$0x1] =	stream.indirect_vreg.gather @!p0 [hbm4b:s2+s11], $0x80, v7, vm1, $0xb8;
	[tilespmem:$0x1C800] =	vst v63  }
0x10b: {  	s12 =	simm.s32 @!p0 $0x10000  }
0x10c: {  	[tilespmem:s12], [sflag:$0x1] =	stream.indirect_vreg.gather @!p0 [hbm4b:s2+s11], $0x80, v3, vm1, $0xb8;
	[tilespmem:$0x1C800] =	vst v63  }
0x10d: {  	_ =	swait.ge [sflag:s28], $0x4000  }
0x10e: {  	s12 =	rddreg [dreg:$0x4];
	[sflag:s28] =	ssyncset.done $0x0  }
0x10f: {  	[sflag:s28] =	ssyncadd.s32 $0xFFFFC000;
	s12 =	sadd.s32 s10, s12  }
0x110: {  	[hbm4b:s12+s3] =	stream.linear.scatter [tilespmem:s23], [sflag:$0x7], $0x4000, $0x38;
	[tilespmem:$0x1C800] =	vst v63  }
0x111: {  	s12 =	simm.s32 @!p0 $0x6  }
0x112: {  	_ =	swait.ge @!p0 [sflag:s12], $0x4000  }
0x113: {  	[sflag:s12] =	ssyncset.done @!p0 $0x0  }
0x114: {  	[sflag:s12] =	ssyncadd.s32 @!p0 $0xFFFFC000  }
0x115: {  	v3 =	vld @!p0 [tilespmem:s9+$0x100];
	_ =	sdelay $0x4  }
0x116: {  	v7 =	vshll.u32 @!p0 v3, $0x1  }
0x117: {  	v3 =	vand.u32 @!p0 $0x7, v3;
	v7 =	vand.u32 @!p0 $0xFFFFFFF0, v7  }
0x118: {  	v3 =	vor.u32 @!p0 v3, v7  }
0x119: {  	v7 =	vperm.xlane @!p0 v3, v4;
	_ =	sdelay $0x1  }
0x11a: {  	v3 =	vperm.xlane @!p0 v3, v5;
	v7 =	vadd.s32 @!p0 v6, v7;
	_ =	sdelay $0x1  }
0x11b: {  	v3 =	vadd.s32 @!p0 v6, v3;
	_ =	sdelay $0x1  }
0x11c: {  	s12 =	simm.s32 @!p0 $0x10800  }
0x11d: {  	[tilespmem:s12], [sflag:$0x2] =	stream.indirect_vreg.gather @!p0 [hbm4b:s2+s11], $0x80, v7, vm1, $0xb8;
	[tilespmem:$0x1C800] =	vst v63  }
0x11e: {  	s12 =	simm.s32 @!p0 $0x11000  }
0x11f: {  	[tilespmem:s12], [sflag:$0x2] =	stream.indirect_vreg.gather @!p0 [hbm4b:s2+s11], $0x80, v3, vm1, $0xb8;
	[tilespmem:$0x1C800] =	vst v63  }
0x120: {  	v3 =	vld @!p0 [tilespmem:s9+$0x110];
	_ =	sdelay $0x4  }
0x121: {  	v7 =	vshll.u32 @!p0 v3, $0x1  }
0x122: {  	v3 =	vand.u32 @!p0 $0x7, v3;
	v7 =	vand.u32 @!p0 $0xFFFFFFF0, v7  }
0x123: {  	v3 =	vor.u32 @!p0 v3, v7  }
0x124: {  	v7 =	vperm.xlane @!p0 v3, v4;
	_ =	sdelay $0x1  }
0x125: {  	v3 =	vperm.xlane @!p0 v3, v5;
	v7 =	vadd.s32 @!p0 v6, v7;
	_ =	sdelay $0x1  }
0x126: {  	v3 =	vadd.s32 @!p0 v6, v3;
	_ =	sdelay $0x1  }
0x127: {  	s12 =	simm.s32 @!p0 $0x11800  }
0x128: {  	[tilespmem:s12], [sflag:$0x2] =	stream.indirect_vreg.gather @!p0 [hbm4b:s2+s11], $0x80, v7, vm1, $0xb8;
	[tilespmem:$0x1C800] =	vst v63  }
0x129: {  	s12 =	simm.s32 @!p0 $0x12000  }
0x12a: {  	[tilespmem:s12], [sflag:$0x2] =	stream.indirect_vreg.gather @!p0 [hbm4b:s2+s11], $0x80, v3, vm1, $0xb8;
	[tilespmem:$0x1C800] =	vst v63  }
0x12b: {  	v3 =	vld @!p0 [tilespmem:s9+$0x120];
	_ =	sdelay $0x4  }
0x12c: {  	v7 =	vshll.u32 @!p0 v3, $0x1  }
0x12d: {  	v3 =	vand.u32 @!p0 $0x7, v3;
	v7 =	vand.u32 @!p0 $0xFFFFFFF0, v7  }
0x12e: {  	v3 =	vor.u32 @!p0 v3, v7  }
0x12f: {  	v7 =	vperm.xlane @!p0 v3, v4;
	_ =	sdelay $0x1  }
0x130: {  	v3 =	vperm.xlane @!p0 v3, v5;
	v7 =	vadd.s32 @!p0 v6, v7;
	_ =	sdelay $0x1  }
0x131: {  	v3 =	vadd.s32 @!p0 v6, v3;
	_ =	sdelay $0x1  }
0x132: {  	s12 =	simm.s32 @!p0 $0x12800  }
0x133: {  	[tilespmem:s12], [sflag:$0x2] =	stream.indirect_vreg.gather @!p0 [hbm4b:s2+s11], $0x80, v7, vm1, $0xb8;
	[tilespmem:$0x1C800] =	vst v63  }
0x134: {  	s12 =	simm.s32 @!p0 $0x13000  }
0x135: {  	[tilespmem:s12], [sflag:$0x2] =	stream.indirect_vreg.gather @!p0 [hbm4b:s2+s11], $0x80, v3, vm1, $0xb8;
	[tilespmem:$0x1C800] =	vst v63  }
0x136: {  	v3 =	vld @!p0 [tilespmem:s9+$0x130];
	_ =	sdelay $0x4  }
0x137: {  	v7 =	vshll.u32 @!p0 v3, $0x1  }
0x138: {  	v3 =	vand.u32 @!p0 $0x7, v3;
	v7 =	vand.u32 @!p0 $0xFFFFFFF0, v7  }
0x139: {  	v3 =	vor.u32 @!p0 v3, v7  }
0x13a: {  	v4 =	vperm.xlane @!p0 v3, v4;
	_ =	sdelay $0x1  }
0x13b: {  	v3 =	vperm.xlane @!p0 v3, v5;
	v4 =	vadd.s32 @!p0 v6, v4;
	_ =	sdelay $0x1  }
0x13c: {  	v3 =	vadd.s32 @!p0 v6, v3;
	_ =	sdelay $0x1  }
0x13d: {  	s12 =	simm.s32 @!p0 $0x13800  }
0x13e: {  	[tilespmem:s12], [sflag:$0x2] =	stream.indirect_vreg.gather @!p0 [hbm4b:s2+s11], $0x80, v4, vm1, $0xb8;
	[tilespmem:$0x1C800] =	vst v63  }
0x13f: {  	s12 =	simm.s32 @!p0 $0x14000  }
0x140: {  	[tilespmem:s12], [sflag:$0x2] =	stream.indirect_vreg.gather @!p0 [hbm4b:s2+s11], $0x80, v3, vm1, $0xb8;
	[tilespmem:$0x1C800] =	vst v63  }
0x141: {  	_ =	swait.ge [sflag:s29], $0x4000  }
0x142: {  	s12 =	rddreg [dreg:$0x5]  }
0x143: {  	s11 =	sadd.s32 s10, s12;
	s10 =	sadd.s32 $0x2000, s10  }
0x144: {  	p0 =	sne.s32 s10, $0xC8000  }
.Ltmp0:
0x145: {  	_ = 	snop;
	(pc) =	sbr.rel @p0 .LBB2_2-.Ltmp0, $4  }
0x146: {  	_ = 	snop  }
0x147: {  	[sflag:s29] =	ssyncset.done $0x0  }
0x148: {  	s9 =	sadd.s32 $0x200, s9;
	[sflag:s29] =	ssyncadd.s32 $0xFFFFC000  }
0x149: {  	[hbm4b:s11+s3] =	stream.linear.scatter [tilespmem:s25], [sflag:$0x8], $0x4000, $0x38;
	[tilespmem:$0x1C800] =	vst v63  }
0x14a: {  	_ =	swait.ge [sflag:s30], $0x4000  }
0x14b: {  	[sflag:s30] =	ssyncset.done $0x0  }
0x14c: {  	[sflag:s30] =	ssyncadd.s32 $0xFFFFC000  }
0x14d: {  	_ =	swait.ge [sflag:s31], $0x4000  }
0x14e: {  	[sflag:s31] =	ssyncset.done $0x0  }
0x14f: {  	s8 =	sadd.s32 $0x1, s8;
	[sflag:s31] =	ssyncadd.s32 $0xFFFFC000  }
0x150: {  	p0 =	sne.s32 s8, s5;
	_ =	swait.ge [sflag:s1], $0x4000  }
.Ltmp1:
0x151: {  	[sflag:s1] =	ssyncset.done $0x0;
	(pc) =	sbr.rel @p0 .LBB2_1-.Ltmp1, $4  }
0x152: {  	[sflag:s1] =	ssyncadd.s32 $0xFFFFC000  }
0x153: {  	_ =	swait.ge [sflag:s0], $0x4000  }
0x154: {  	[sflag:s0] =	ssyncset.done $0x0  }
0x155: {  	[sflag:s0] =	ssyncadd.s32 $0xFFFFC000  }
0x156: {  	_ =	sfence.sel $0x180000  }
0x157: {  	[bflag:$0x0] =	sbarrier.arrive $0xFFFF  }
0x158: {  	_ =	strace $0x90000047  }
0x159: {  	s0 =	stileid.u32;
	[bflag:$0x2] =	sbarrier.arrive $0xFFFF  }
0x15a: {  	p0 =	sne.s32 s0, $0x0;
	s0 =	rddreg [dreg:$0x3]  }
0x15b: {  	s0 =	sadd.s32 @!p0 $0x100000, s0  }
0x15c: {  	[sflag:s0] =	ssyncadd.tile.s32 @!p0 $0x1;
	_ =	shalt  }
.Lfunc_end2:
_tile_overlayer_lowered:
.L_overlay_start_2:
0x15d: {  	(tag) =	ssettag $0x2  }
0x15e: {  	s0 =	rddreg [dreg:$0x0];
	s2 =	stileid.u32  }
0x15f: {  	s1 =	rddreg [dreg:$0x1];
	p0 =	sne.s32 s2, $0x0  }
0x160: {  	s3 =	rddreg [dreg:$0x2];
	[bflag:$0x3] =	sbarrier.arrive $0xFFFF;
	s2 =	simm.s32 @!p0 $0x1C09  }
0x161: {  	[timem:s3], [sflag:s2] =	dma.local @!p0 [hbm:s0], s1  }
0x162: {  	s0 =	simm.s32 @!p0 $0x9  }
0x163: {  	_ =	swait.ge @!p0 [sflag:s0], s1  }
0x164: {  	s1 =	ssub.s32 @!p0 $0x0, s1;
	[sflag:s0] =	ssyncset.done @!p0 $0x0  }
0x165: {  	[sflag:s0] =	ssyncadd.s32 @!p0 s1  }
0x166: {  	[bflag:$0x3] =	sbarrier.arrive $0xFFFF  }
0x167: {  	_ =	shalt  }

</sc_bundles>
